<compile_context>
chip_gen: v7x
topology: tpu7x:2x2x1
jax: 0.10.2.dev20260603
libtpu: 0.0.44.dev20260713+nightly
codegen_flags: <defaults>
</compile_context>

<pallas_src>
import functools

import jax
import jax.numpy as jnp
from jax.experimental import pallas as pl
from jax.experimental.pallas import tpu as pltpu
from jax.experimental.pallas import tpu_sc as plsc

S = 128
L = 100
EMB = 256
WH = 256
SH = 256
NF = 100

_SC_CORES = 2
_SC_SUBCORES = 16
_SC_WORKERS = _SC_CORES * _SC_SUBCORES


def _sc_gather(table, idx):
  B = idx.shape[0]
  D = table.shape[1]
  b_per_w = B // _SC_WORKERS
  mesh = plsc.VectorSubcoreMesh(core_axis_name="c", subcore_axis_name="s")

  @functools.partial(
      pl.kernel,
      out_type=jax.ShapeDtypeStruct((B, D), jnp.float32),
      mesh=mesh,
      scratch_types=[
          pltpu.VMEM((b_per_w,), jnp.int32),
          pltpu.VMEM((b_per_w, D), jnp.float32),
          pltpu.SemaphoreType.DMA,
      ],
  )
  def gather_kernel(table_hbm, idx_hbm, out_hbm, idx_v, rows_v, sem):
    wid = jax.lax.axis_index("s") * _SC_CORES + jax.lax.axis_index("c")
    base = wid * b_per_w
    pltpu.sync_copy(idx_hbm.at[pl.ds(base, b_per_w)], idx_v)
    pltpu.async_copy(table_hbm.at[idx_v], rows_v, sem).wait()
    pltpu.sync_copy(rows_v, out_hbm.at[pl.ds(base, b_per_w)])

  return gather_kernel(table, idx)


def _lstm_gates(g, c):
  i = g[:, 0 * WH:1 * WH]
  f = g[:, 1 * WH:2 * WH]
  gg = g[:, 2 * WH:3 * WH]
  o = g[:, 3 * WH:4 * WH]
  c_new = jax.nn.sigmoid(f) * c + jax.nn.sigmoid(i) * jnp.tanh(gg)
  h_new = jax.nn.sigmoid(o) * jnp.tanh(c_new)
  return h_new, c_new


def _dot(a, b):
  return jnp.dot(a, b, preferred_element_type=jnp.float32)


_CB = 20
_NB = L // _CB


def _dense_body(wf_ref, x_ref, wih_f_ref, whh_f_ref, wbf_ref, wih_b_ref,
                whh_b_ref, wbb_ref, swihT_f_ref, swhhT_f_ref, sbf_ref,
                swihT_b_ref, swhhT_b_ref, sbb_ref, cw3t_ref, cb3_ref,
                cw4t_ref, cb4_ref, cw5t_ref, cb5_ref, shift_ref, dA_ref,
                dB_ref, dC3_ref, dC4_ref, dC5_ref, db1_ref, dw2T_ref,
                db2_ref, out_ref, buf_ref, sem_ref, xpf_ref, xpb_ref,
                sof_ref, sob_ref):
  xv = x_ref[...]
  seq_len = jnp.sum(jnp.sign(xv), axis=1, keepdims=True)

  wih_f = wih_f_ref[...]
  whh_f = whh_f_ref[...]
  wih_b = wih_b_ref[...]
  whh_b = whh_b_ref[...]
  wbf = wbf_ref[...]
  wbb = wbb_ref[...]

  def wf_copy(chunk, slot):
    return pltpu.make_async_copy(
        wf_ref.at[pl.ds(chunk * _CB, _CB)], buf_ref.at[slot],
        sem_ref.at[slot])

  wf_copy(0, 0).start()
  wf_copy(_NB - 1, 2).start()
  wf_copy(1, 1).start()
  wf_copy(_NB - 2, 3).start()

  def word_chunk(c, carry):
    slot_f = jax.lax.rem(c, 2)
    slot_b = 2 + slot_f
    wf_copy(c, slot_f).wait()
    wf_copy(_NB - 1 - c, slot_b).wait()

    def gate_step(i, carry2):
      for u in range(4):
        hf, cf, af, hb, cb, ab = carry2
        tl = 4 * i + u
        t = c * _CB + tl
        tb = L - 1 - t
        xt_f = buf_ref[slot_f, tl].astype(jnp.bfloat16)
        xt_b = buf_ref[slot_b, _CB - 1 - tl].astype(jnp.bfloat16)
        gf = _dot(xt_f, wih_f) + _dot(hf.astype(jnp.bfloat16), whh_f) + wbf
        gb = _dot(xt_b, wih_b) + _dot(hb.astype(jnp.bfloat16), whh_b) + wbb
        hf, cf = _lstm_gates(gf, cf)
        hb, cb = _lstm_gates(gb, cb)
        mf = jnp.where(t < seq_len, 1.0, 0.0)
        mb = jnp.where(tb < seq_len, 1.0, 0.0)
        carry2 = (hf, cf, af + hf * mf, hb, cb, ab + hb * mb)
      return carry2

    carry = jax.lax.fori_loop(0, _CB // 4, gate_step, carry)

    @pl.when(c + 2 < _NB)
    def _():
      wf_copy(c + 2, slot_f).start()
      wf_copy(_NB - 3 - c, slot_b).start()

    return carry

  z = jnp.zeros((S, WH), jnp.float32)
  _, _, af, _, _, ab = jax.lax.fori_loop(
      0, _NB, word_chunk, (z, z, z, z, z, z))

  denom = jnp.maximum(seq_len.astype(jnp.float32), 1.0)
  sent_f = af / denom
  sent_b = ab / denom
  sent = jnp.concatenate([sent_f, sent_b], axis=1).astype(jnp.bfloat16)

  xpf_ref[...] = _dot(sent, swihT_f_ref[...]) + sbf_ref[...]
  xpb_ref[...] = _dot(sent, swihT_b_ref[...]) + sbb_ref[...]
  swhhT_f = swhhT_f_ref[...]
  swhhT_b = swhhT_b_ref[...]

  def sent_step(i, carry):
    for u in range(4):
      hf, cf, hb, cb = carry
      t = 4 * i + u
      tb = S - 1 - t
      gf = xpf_ref[pl.ds(t, 1), :] + _dot(hf.astype(jnp.bfloat16), swhhT_f)
      gb = xpb_ref[pl.ds(tb, 1), :] + _dot(hb.astype(jnp.bfloat16), swhhT_b)
      hf, cf = _lstm_gates(gf, cf)
      hb, cb = _lstm_gates(gb, cb)
      sof_ref[pl.ds(t, 1), :] = hf
      sob_ref[pl.ds(tb, 1), :] = hb
      carry = (hf, cf, hb, cb)
    return carry

  z1 = jnp.zeros((1, SH), jnp.float32)
  jax.lax.fori_loop(0, S // 4, sent_step, (z1, z1, z1, z1))

  so = jnp.concatenate([sof_ref[...], sob_ref[...]], axis=1)
  doc = jnp.mean(so, axis=0, keepdims=True)
  so16 = so.astype(jnp.bfloat16)

  shift = shift_ref[...]
  rows = jax.lax.broadcasted_iota(jnp.int32, (S, NF), 0)

  def conv_pool(wt_ref, k, bias):
    acc = _dot(so16, wt_ref[k - 1])
    for j in range(k - 2, -1, -1):
      acc = _dot(so16, wt_ref[j]) + _dot(shift, acc.astype(jnp.bfloat16))
    out = jax.nn.relu(acc + bias)
    out = jnp.where(rows < S - k + 1, out, 0.0)
    return jnp.max(out, axis=0, keepdims=True)

  l3 = conv_pool(cw3t_ref, 3, cb3_ref[...])
  l4 = conv_pool(cw4t_ref, 4, cb4_ref[...])
  l5 = conv_pool(cw5t_ref, 5, cb5_ref[...])

  h = jnp.tanh(_dot(so16, dA_ref[...]) +
               _dot(doc.astype(jnp.bfloat16), dB_ref[...]) +
               _dot(l3.astype(jnp.bfloat16), dC3_ref[...]) +
               _dot(l4.astype(jnp.bfloat16), dC4_ref[...]) +
               _dot(l5.astype(jnp.bfloat16), dC5_ref[...]) + db1_ref[...])
  out_ref[...] = jax.nn.sigmoid(
      _dot(h.astype(jnp.bfloat16), dw2T_ref[...]) + db2_ref[...])


def _dense_forward(wf3, xv, dense_args, interpret=False):
  return pl.pallas_call(
      _dense_body,
      out_shape=jax.ShapeDtypeStruct((S, 1), jnp.float32),
      in_specs=[pl.BlockSpec(memory_space=pltpu.MemorySpace.HBM)] +
               [pl.BlockSpec(memory_space=pltpu.MemorySpace.VMEM)] *
               (1 + len(dense_args)),
      scratch_shapes=[
          pltpu.VMEM((4, _CB, S, EMB), jnp.float32),
          pltpu.SemaphoreType.DMA((4,)),
          pltpu.VMEM((S, 4 * SH), jnp.float32),
          pltpu.VMEM((S, 4 * SH), jnp.float32),
          pltpu.VMEM((S, SH), jnp.float32),
          pltpu.VMEM((S, SH), jnp.float32),
      ],
      compiler_params=pltpu.CompilerParams(
          vmem_limit_bytes=110 * 1024 * 1024),
      interpret=interpret,
  )(wf3, xv, *dense_args)


def _prep_dense_args(ww_ih_f, ww_hh_f, wb_ih_f, wb_hh_f, ww_ih_b, ww_hh_b,
                     wb_ih_b, wb_hh_b, sw_ih_f, sw_hh_f, sb_ih_f, sb_hh_f,
                     sw_ih_b, sw_hh_b, sb_ih_b, sb_hh_b, cw3, cb3, cw4, cb4,
                     cw5, cb5, dw1, db1, dw2, db2):
  dw1T = dw1.T
  b16 = lambda a: a.astype(jnp.bfloat16)
  return (
      b16(ww_ih_f.T), b16(ww_hh_f.T), (wb_ih_f + wb_hh_f).reshape(1, -1),
      b16(ww_ih_b.T), b16(ww_hh_b.T), (wb_ih_b + wb_hh_b).reshape(1, -1),
      b16(sw_ih_f.T), b16(sw_hh_f.T), (sb_ih_f + sb_hh_f).reshape(1, -1),
      b16(sw_ih_b.T), b16(sw_hh_b.T), (sb_ih_b + sb_hh_b).reshape(1, -1),
      b16(cw3[:, 0].transpose(1, 2, 0)), cb3.reshape(1, -1),
      b16(cw4[:, 0].transpose(1, 2, 0)), cb4.reshape(1, -1),
      b16(cw5[:, 0].transpose(1, 2, 0)), cb5.reshape(1, -1),
      jnp.eye(S, k=1, dtype=jnp.bfloat16),
      b16(dw1T[0:2 * SH]), b16(dw1T[2 * SH:4 * SH]),
      b16(dw1T[4 * SH:4 * SH + NF]), b16(dw1T[4 * SH + NF:4 * SH + 2 * NF]),
      b16(dw1T[4 * SH + 2 * NF:4 * SH + 3 * NF]),
      db1.reshape(1, -1), b16(dw2.T), db2.reshape(1, -1),
  )


def kernel(x, emb, ww_ih_f, ww_hh_f, wb_ih_f, wb_hh_f, ww_ih_b, ww_hh_b,
           wb_ih_b, wb_hh_b, sw_ih_f, sw_hh_f, sb_ih_f, sb_hh_f, sw_ih_b,
           sw_hh_b, sb_ih_b, sb_hh_b, cw3, cb3, cw4, cb4, cw5, cb5,
           dw1, db1, dw2, db2):
  xv = x.astype(jnp.int32)
  idx = xv.T.reshape(-1)
  wf = _sc_gather(emb, idx)
  wf3 = wf.reshape(L, S, EMB)
  dense_args = _prep_dense_args(
      ww_ih_f, ww_hh_f, wb_ih_f, wb_hh_f, ww_ih_b, ww_hh_b, wb_ih_b,
      wb_hh_b, sw_ih_f, sw_hh_f, sb_ih_f, sb_hh_f, sw_ih_b, sw_hh_b,
      sb_ih_b, sb_hh_b, cw3, cb3, cw4, cb4, cw5, cb5, dw1, db1, dw2, db2)
  return _dense_forward(wf3, xv, dense_args)

# --- scband reference (transcript-rebuilt; emitter-appended) ---
"""Pipeline reference for scband-she-35811437314148 (READ-ONLY COPY).

The authoritative reference and input builder live on the scoring server;
editing this copy changes nothing except your own understanding.
"""

import jax, jax.numpy as jnp
import numpy as np

S = 128
L = 100
VOCAB = 50000
EMB = 256
WH = 256
SH = 256
NF = 100


def lstm(xseq, wih, whh, bih, bhh, reverse=False):
    H = whh.shape[1]
    if reverse:
        xseq = xseq[::-1]
    def step(carry, xt):
        h, c = carry
        g = xt @ wih.T + bih + h @ whh.T + bhh
        i, f, gg, o = jnp.split(g, 4, axis=-1)
        c = jax.nn.sigmoid(f) * c + jax.nn.sigmoid(i) * jnp.tanh(gg)
        h = jax.nn.sigmoid(o) * jnp.tanh(c)
        return (h, c), h
    init = (jnp.zeros((H,), dtype=xseq.dtype), jnp.zeros((H,), dtype=xseq.dtype))
    _, hs = jax.lax.scan(step, init, xseq)
    if reverse:
        hs = hs[::-1]
    return hs


def bilstm(xseq, pf, pb):
    return jnp.concatenate([lstm(xseq, pf[0], pf[1], pf[2], pf[3]), lstm(xseq, pb[0], pb[1], pb[2], pb[3], reverse=True)], axis=-1)


def conv_pool(sent, W, b):
    k = W.shape[2]
    Sn = sent.shape[0]
    win = jnp.stack([sent[j:Sn - k + 1 + j] for j in range(k)], axis=1)
    out = jnp.einsum('tkd,fkd->tf', win, W[:, 0]) + b
    out = jax.nn.relu(out)
    return jnp.max(out, axis=0)


def _forward(x, p):
    seq_len = jnp.sum(jnp.sign(x), axis=1)
    wf = p['emb'][x]
    pf = (p['ww_ih_f'], p['ww_hh_f'], p['wb_ih_f'], p['wb_hh_f'])
    pb = (p['ww_ih_b'], p['ww_hh_b'], p['wb_ih_b'], p['wb_hh_b'])
    wo = jax.vmap(lambda s: bilstm(s, pf, pb))(wf)
    mask = (jnp.arange(wf.shape[1])[None, :] < seq_len[:, None]).astype(jnp.float32)
    denom = jnp.maximum(seq_len.astype(jnp.float32), 1.0)
    sent_feat = jnp.sum(wo * mask[:, :, None], axis=1) / denom[:, None]
    spf = (p['sw_ih_f'], p['sw_hh_f'], p['sb_ih_f'], p['sb_hh_f'])
    spb = (p['sw_ih_b'], p['sw_hh_b'], p['sb_ih_b'], p['sb_hh_b'])
    so = bilstm(sent_feat, spf, spb)
    doc = jnp.mean(so, axis=0)
    l3 = conv_pool(so, p['cw3'], p['cb3'])
    l4 = conv_pool(so, p['cw4'], p['cb4'])
    l5 = conv_pool(so, p['cw5'], p['cb5'])
    Sn = so.shape[0]
    enc = jnp.concatenate([so, jnp.broadcast_to(doc, (Sn, doc.shape[0])), jnp.broadcast_to(l3, (Sn, NF)), jnp.broadcast_to(l4, (Sn, NF)), jnp.broadcast_to(l5, (Sn, NF))], axis=-1)
    h = jnp.tanh(enc @ p['dw1'].T + p['db1'])
    prob = jax.nn.sigmoid(h @ p['dw2'].T + p['db2'])
    return prob.reshape(Sn, 1)


def setup_inputs(seed: int = 0):
    key = jax.random.key(seed)
    ks = jax.random.split(key, 32)
    def n(i, shape, scale=0.05):
        return jax.random.normal(ks[i], shape, dtype=jnp.float32) * scale
    inp = {}
    inp['x'] = jax.random.randint(ks[0], (S, L), 0, VOCAB)
    inp['emb'] = n(1, (VOCAB, EMB), 0.1)
    inp['ww_ih_f'] = n(2, (4 * WH, EMB))
    inp['ww_hh_f'] = n(3, (4 * WH, WH))
    inp['wb_ih_f'] = n(4, (4 * WH,))
    inp['wb_hh_f'] = n(5, (4 * WH,))
    inp['ww_ih_b'] = n(6, (4 * WH, EMB))
    inp['ww_hh_b'] = n(7, (4 * WH, WH))
    inp['wb_ih_b'] = n(8, (4 * WH,))
    inp['wb_hh_b'] = n(9, (4 * WH,))
    inp['sw_ih_f'] = n(10, (4 * SH, 2 * WH))
    inp['sw_hh_f'] = n(11, (4 * SH, SH))
    inp['sb_ih_f'] = n(12, (4 * SH,))
    inp['sb_hh_f'] = n(13, (4 * SH,))
    inp['sw_ih_b'] = n(14, (4 * SH, 2 * WH))
    inp['sw_hh_b'] = n(15, (4 * SH, SH))
    inp['sb_ih_b'] = n(16, (4 * SH,))
    inp['sb_hh_b'] = n(17, (4 * SH,))
    inp['cw3'] = n(18, (NF, 1, 3, 2 * SH))
    inp['cb3'] = n(19, (NF,))
    inp['cw4'] = n(20, (NF, 1, 4, 2 * SH))
    inp['cb4'] = n(21, (NF,))
    inp['cw5'] = n(22, (NF, 1, 5, 2 * SH))
    inp['cb5'] = n(23, (NF,))
    inp['dw1'] = n(24, (200, 2 * 2 * SH + 3 * NF))
    inp['db1'] = n(25, (200,))
    inp['dw2'] = n(26, (1, 200))
    inp['db2'] = n(27, (1,))
    return inp


def reference(x, emb, ww_ih_f, ww_hh_f, wb_ih_f, wb_hh_f, ww_ih_b, ww_hh_b,
              wb_ih_b, wb_hh_b, sw_ih_f, sw_hh_f, sb_ih_f, sb_hh_f, sw_ih_b,
              sw_hh_b, sb_ih_b, sb_hh_b, cw3, cb3, cw4, cb4, cw5, cb5,
              dw1, db1, dw2, db2):
    params = {
        'emb': emb,
        'ww_ih_f': ww_ih_f, 'ww_hh_f': ww_hh_f, 'wb_ih_f': wb_ih_f, 'wb_hh_f': wb_hh_f,
        'ww_ih_b': ww_ih_b, 'ww_hh_b': ww_hh_b, 'wb_ih_b': wb_ih_b, 'wb_hh_b': wb_hh_b,
        'sw_ih_f': sw_ih_f, 'sw_hh_f': sw_hh_f, 'sb_ih_f': sb_ih_f, 'sb_hh_f': sb_hh_f,
        'sw_ih_b': sw_ih_b, 'sw_hh_b': sw_hh_b, 'sb_ih_b': sb_ih_b, 'sb_hh_b': sb_hh_b,
        'cw3': cw3, 'cb3': cb3, 'cw4': cw4, 'cb4': cb4, 'cw5': cw5, 'cb5': cb5,
        'dw1': dw1, 'db1': db1, 'dw2': dw2, 'db2': db2,
    }
    return _forward(x, params)

if __name__ == "__main__":
    import jax
    _d = setup_inputs()
    print(jax.jit(kernel)(*tuple(_d.values())))

</pallas_src>

<mosaic_0001>
#map = affine_map<(d0, d1) -> (0, 0)>
#map1 = affine_map<(d0, d1) -> (0)>
module attributes {stable_mosaic.version = 14 : i64} {
  func.func @gather_kernel(%arg0: i32, %arg1: i32, %arg2: memref<50000x256xf32, #tpu.memory_space<hbm>>, %arg3: memref<12800xi32, #tpu.memory_space<hbm>>, %arg4: memref<12800x256xf32, #tpu.memory_space<hbm>>, %arg5: memref<400xi32, #tpu.memory_space<vmem>>, %arg6: memref<400x256xf32, #tpu.memory_space<vmem>>, %arg7: memref<!tpu.dma_semaphore, #tpu.memory_space<semaphore_mem>>) attributes {dimension_semantics = [#tpu.dimension_semantics<core_parallel>, #tpu.dimension_semantics<subcore_parallel>], iteration_bounds = array<i64: 2, 16>, scalar_prefetch = 0 : i64, scratch_operands = 3 : i64, tpu.core_type = #tpu.core_type<sc_vector_subcore>, window_params = [{transform_indices = #map}, {transform_indices = #map1}, {transform_indices = #map}]} {
    %mul3A = arith.constant 2 : i32
    %mul3A_0 = arith.muli %arg1, %mul3A : i32
    %add3A = arith.addi %mul3A_0, %arg0 : i32
    %mul3A_1 = arith.constant 400 : i32
    %mul3A_2 = arith.muli %add3A, %mul3A_1 : i32
    "tpu.region"() ({
      %run_scoped3A = tpu.sem_alloc : memref<!tpu.dma_semaphore, #tpu.memory_space<semaphore_mem>>
      %dma_start3A_7 = tpu.memref_slice %arg3[%mul3A_2] : memref<12800xi32, #tpu.memory_space<hbm>> -> memref<400xi32, #tpu.memory_space<hbm>>
      %dma_start3A_8 = tpu.memref_slice %arg3[%mul3A_2] : memref<12800xi32, #tpu.memory_space<hbm>> -> memref<400xi32, #tpu.memory_space<hbm>>
      tpu.enqueue_dma source(%dma_start3A_8 : memref<400xi32, #tpu.memory_space<hbm>>) target(%arg5 : memref<400xi32, #tpu.memory_space<vmem>>) target_semaphore(%run_scoped3A : memref<!tpu.dma_semaphore, #tpu.memory_space<semaphore_mem>>)
      %dma_wait3A_9 = tpu.memref_slice %arg3[%mul3A_2] : memref<12800xi32, #tpu.memory_space<hbm>> -> memref<400xi32, #tpu.memory_space<hbm>>
      %dma_wait3A_10 = tpu.memref_slice %arg3[%mul3A_2] : memref<12800xi32, #tpu.memory_space<hbm>> -> memref<400xi32, #tpu.memory_space<hbm>>
      tpu.wait_dma2 semaphore(%run_scoped3A : memref<!tpu.dma_semaphore, #tpu.memory_space<semaphore_mem>>) src(%dma_wait3A_10 : memref<400xi32, #tpu.memory_space<hbm>>) dst(%arg5 : memref<400xi32, #tpu.memory_space<vmem>>)
      tpu.yield
    }) : () -> ()
    %dma_start3A = arith.constant 0 : i32
    %dma_start3A_3 = arith.constant 0 : i32
    %dma_start3A_4 = tpu.memref_slice %arg2[%dma_start3A, %dma_start3A_3] : memref<50000x256xf32, #tpu.memory_space<hbm>> -> memref<50000x256xf32, #tpu.memory_space<hbm>>
    tpu.enqueue_indirect_dma source(%dma_start3A_4 : memref<50000x256xf32, #tpu.memory_space<hbm>>) target(%arg6 : memref<400x256xf32, #tpu.memory_space<vmem>>) offsets(%arg5 : memref<400xi32, #tpu.memory_space<vmem>>) semaphore(%arg7 : memref<!tpu.dma_semaphore, #tpu.memory_space<semaphore_mem>>)
    %dma_wait3A = arith.constant 0 : i32
    %dma_wait3A_5 = arith.constant 0 : i32
    %dma_wait3A_6 = tpu.memref_slice %arg2[%dma_wait3A, %dma_wait3A_5] : memref<50000x256xf32, #tpu.memory_space<hbm>> -> memref<50000x256xf32, #tpu.memory_space<hbm>>
    tpu.wait_indirect_dma semaphore(%arg7 : memref<!tpu.dma_semaphore, #tpu.memory_space<semaphore_mem>>) src(%dma_wait3A_6 : memref<50000x256xf32, #tpu.memory_space<hbm>>) dst(%arg6 : memref<400x256xf32, #tpu.memory_space<vmem>>)
    "tpu.region"() ({
      %run_scoped3A = tpu.sem_alloc : memref<!tpu.dma_semaphore, #tpu.memory_space<semaphore_mem>>
      %dma_start3A_7 = arith.constant 0 : i32
      %dma_start3A_8 = tpu.memref_slice %arg4[%mul3A_2, %dma_start3A_7] : memref<12800x256xf32, #tpu.memory_space<hbm>> -> memref<400x256xf32, #tpu.memory_space<hbm>>
      %dma_start3A_9 = arith.constant 0 : i32
      %dma_start3A_10 = tpu.memref_slice %arg4[%mul3A_2, %dma_start3A_9] : memref<12800x256xf32, #tpu.memory_space<hbm>> -> memref<400x256xf32, #tpu.memory_space<hbm>>
      tpu.enqueue_dma source(%arg6 : memref<400x256xf32, #tpu.memory_space<vmem>>) target(%dma_start3A_10 : memref<400x256xf32, #tpu.memory_space<hbm>>) target_semaphore(%run_scoped3A : memref<!tpu.dma_semaphore, #tpu.memory_space<semaphore_mem>>)
      %dma_wait3A_11 = arith.constant 0 : i32
      %dma_wait3A_12 = tpu.memref_slice %arg4[%mul3A_2, %dma_wait3A_11] : memref<12800x256xf32, #tpu.memory_space<hbm>> -> memref<400x256xf32, #tpu.memory_space<hbm>>
      %dma_wait3A_13 = arith.constant 0 : i32
      %dma_wait3A_14 = tpu.memref_slice %arg4[%mul3A_2, %dma_wait3A_13] : memref<12800x256xf32, #tpu.memory_space<hbm>> -> memref<400x256xf32, #tpu.memory_space<hbm>>
      tpu.wait_dma2 semaphore(%run_scoped3A : memref<!tpu.dma_semaphore, #tpu.memory_space<semaphore_mem>>) src(%arg6 : memref<400x256xf32, #tpu.memory_space<vmem>>) dst(%dma_wait3A_14 : memref<400x256xf32, #tpu.memory_space<hbm>>)
      tpu.yield
    }) : () -> ()
    return
  }
}

module attributes {stable_mosaic.version = 14 : i64} {
  func.func @_dense_body(%arg0: memref<100x128x256xf32, #tpu.memory_space<hbm>>, %arg1: memref<128x100xi32, #tpu.memory_space<vmem>>, %arg2: memref<256x1024xbf16, #tpu.memory_space<vmem>>, %arg3: memref<256x1024xbf16, #tpu.memory_space<vmem>>, %arg4: memref<1x1024xf32, #tpu.memory_space<vmem>>, %arg5: memref<256x1024xbf16, #tpu.memory_space<vmem>>, %arg6: memref<256x1024xbf16, #tpu.memory_space<vmem>>, %arg7: memref<1x1024xf32, #tpu.memory_space<vmem>>, %arg8: memref<512x1024xbf16, #tpu.memory_space<vmem>>, %arg9: memref<256x1024xbf16, #tpu.memory_space<vmem>>, %arg10: memref<1x1024xf32, #tpu.memory_space<vmem>>, %arg11: memref<512x1024xbf16, #tpu.memory_space<vmem>>, %arg12: memref<256x1024xbf16, #tpu.memory_space<vmem>>, %arg13: memref<1x1024xf32, #tpu.memory_space<vmem>>, %arg14: memref<3x512x100xbf16, #tpu.memory_space<vmem>>, %arg15: memref<1x100xf32, #tpu.memory_space<vmem>>, %arg16: memref<4x512x100xbf16, #tpu.memory_space<vmem>>, %arg17: memref<1x100xf32, #tpu.memory_space<vmem>>, %arg18: memref<5x512x100xbf16, #tpu.memory_space<vmem>>, %arg19: memref<1x100xf32, #tpu.memory_space<vmem>>, %arg20: memref<128x128xbf16, #tpu.memory_space<vmem>>, %arg21: memref<512x200xbf16, #tpu.memory_space<vmem>>, %arg22: memref<512x200xbf16, #tpu.memory_space<vmem>>, %arg23: memref<100x200xbf16, #tpu.memory_space<vmem>>, %arg24: memref<100x200xbf16, #tpu.memory_space<vmem>>, %arg25: memref<100x200xbf16, #tpu.memory_space<vmem>>, %arg26: memref<1x200xf32, #tpu.memory_space<vmem>>, %arg27: memref<200x1xbf16, #tpu.memory_space<vmem>>, %arg28: memref<1x1xf32, #tpu.memory_space<vmem>>, %arg29: memref<128x1xf32, #tpu.memory_space<vmem>>, %arg30: memref<4x20x128x256xf32, #tpu.memory_space<vmem>>, %arg31: memref<4x!tpu.dma_semaphore, #tpu.memory_space<semaphore_mem>>, %arg32: memref<128x1024xf32, #tpu.memory_space<vmem>>, %arg33: memref<128x1024xf32, #tpu.memory_space<vmem>>, %arg34: memref<128x256xf32, #tpu.memory_space<vmem>>, %arg35: memref<128x256xf32, #tpu.memory_space<vmem>>) attributes {dimension_semantics = [], scalar_prefetch = 0 : i64, scratch_operands = 6 : i64, tpu.core_type = #tpu.core_type<tc>} {
    %get3A = arith.constant 0 : index
    %get3A_0 = arith.constant 0 : index
    %get3A_1 = vector.load %arg1[%get3A, %get3A_0] : memref<128x100xi32, #tpu.memory_space<vmem>>, vector<128x100xi32>
    %sign3A = arith.constant 0 : i32
    %sign3A_2 = vector.broadcast %sign3A : i32 to vector<128x100xi32>
    %sign3A_3 = arith.cmpi sgt, %get3A_1, %sign3A_2 : vector<128x100xi32>
    %sign3A_4 = arith.extui %sign3A_3 : vector<128x100xi1> to vector<128x100xi32>
    %sign3A_5 = arith.constant 0 : i32
    %sign3A_6 = vector.broadcast %sign3A_5 : i32 to vector<128x100xi32>
    %sign3A_7 = arith.cmpi slt, %get3A_1, %sign3A_6 : vector<128x100xi32>
    %sign3A_8 = arith.extui %sign3A_7 : vector<128x100xi1> to vector<128x100xi32>
    %sign3A_9 = arith.subi %sign3A_4, %sign3A_8 : vector<128x100xi32>
    %reduce_sum3A = arith.constant dense<0> : vector<128xi32>
    %reduce_sum3A_10 = vector.multi_reduction <add>, %sign3A_9, %reduce_sum3A [1] : vector<128x100xi32> to vector<128xi32>
    %broadcast_in_dim3A = vector.shape_cast %reduce_sum3A_10 : vector<128xi32> to vector<128x1xi32>
    %get3A_11 = arith.constant 0 : index
    %get3A_12 = arith.constant 0 : index
    %get3A_13 = vector.load %arg2[%get3A_11, %get3A_12] : memref<256x1024xbf16, #tpu.memory_space<vmem>>, vector<256x1024xbf16>
    %get3A_14 = arith.constant 0 : index
    %get3A_15 = arith.constant 0 : index
    %get3A_16 = vector.load %arg3[%get3A_14, %get3A_15] : memref<256x1024xbf16, #tpu.memory_space<vmem>>, vector<256x1024xbf16>
    %get3A_17 = arith.constant 0 : index
    %get3A_18 = arith.constant 0 : index
    %get3A_19 = vector.load %arg5[%get3A_17, %get3A_18] : memref<256x1024xbf16, #tpu.memory_space<vmem>>, vector<256x1024xbf16>
    %get3A_20 = arith.constant 0 : index
    %get3A_21 = arith.constant 0 : index
    %get3A_22 = vector.load %arg6[%get3A_20, %get3A_21] : memref<256x1024xbf16, #tpu.memory_space<vmem>>, vector<256x1024xbf16>
    %get3A_23 = arith.constant 0 : index
    %get3A_24 = arith.constant 0 : index
    %get3A_25 = vector.load %arg4[%get3A_23, %get3A_24] : memref<1x1024xf32, #tpu.memory_space<vmem>>, vector<1x1024xf32>
    %get3A_26 = arith.constant 0 : index
    %get3A_27 = arith.constant 0 : index
    %get3A_28 = vector.load %arg7[%get3A_26, %get3A_27] : memref<1x1024xf32, #tpu.memory_space<vmem>>, vector<1x1024xf32>
    %dma_start3A = arith.constant 0 : i32
    %dma_start3A_29 = arith.constant 0 : i32
    %dma_start3A_30 = tpu.memref_slice %arg31[%dma_start3A_29] : memref<4x!tpu.dma_semaphore, #tpu.memory_space<semaphore_mem>> -> memref<1x!tpu.dma_semaphore, #tpu.memory_space<semaphore_mem>>
    %dma_start3A_31 = tpu.memref_squeeze %dma_start3A_30 : memref<1x!tpu.dma_semaphore, #tpu.memory_space<semaphore_mem>> -> memref<!tpu.dma_semaphore, #tpu.memory_space<semaphore_mem>>
    %dma_start3A_32 = arith.constant 0 : i32
    %dma_start3A_33 = arith.constant 0 : i32
    %dma_start3A_34 = arith.constant 0 : i32
    %dma_start3A_35 = tpu.memref_slice %arg30[%dma_start3A, %dma_start3A_32, %dma_start3A_33, %dma_start3A_34] : memref<4x20x128x256xf32, #tpu.memory_space<vmem>> -> memref<1x20x128x256xf32, #tpu.memory_space<vmem>>
    %dma_start3A_36 = tpu.memref_squeeze %dma_start3A_35 : memref<1x20x128x256xf32, #tpu.memory_space<vmem>> -> memref<20x128x256xf32, #tpu.memory_space<vmem>>
    %dma_start3A_37 = arith.constant 0 : i32
    %dma_start3A_38 = arith.constant 0 : i32
    %dma_start3A_39 = arith.constant 0 : i32
    %dma_start3A_40 = tpu.memref_slice %arg0[%dma_start3A_37, %dma_start3A_38, %dma_start3A_39] : memref<100x128x256xf32, #tpu.memory_space<hbm>> -> memref<20x128x256xf32, #tpu.memory_space<hbm>>
    tpu.enqueue_dma source(%dma_start3A_40 : memref<20x128x256xf32, #tpu.memory_space<hbm>>) target(%dma_start3A_36 : memref<20x128x256xf32, #tpu.memory_space<vmem>>) target_semaphore(%dma_start3A_31 : memref<!tpu.dma_semaphore, #tpu.memory_space<semaphore_mem>>)
    %dma_start3A_41 = arith.constant 2 : i32
    %dma_start3A_42 = arith.constant 2 : i32
    %dma_start3A_43 = tpu.memref_slice %arg31[%dma_start3A_42] : memref<4x!tpu.dma_semaphore, #tpu.memory_space<semaphore_mem>> -> memref<1x!tpu.dma_semaphore, #tpu.memory_space<semaphore_mem>>
    %dma_start3A_44 = tpu.memref_squeeze %dma_start3A_43 : memref<1x!tpu.dma_semaphore, #tpu.memory_space<semaphore_mem>> -> memref<!tpu.dma_semaphore, #tpu.memory_space<semaphore_mem>>
    %dma_start3A_45 = arith.constant 0 : i32
    %dma_start3A_46 = arith.constant 0 : i32
    %dma_start3A_47 = arith.constant 0 : i32
    %dma_start3A_48 = tpu.memref_slice %arg30[%dma_start3A_41, %dma_start3A_45, %dma_start3A_46, %dma_start3A_47] : memref<4x20x128x256xf32, #tpu.memory_space<vmem>> -> memref<1x20x128x256xf32, #tpu.memory_space<vmem>>
    %dma_start3A_49 = tpu.memref_squeeze %dma_start3A_48 : memref<1x20x128x256xf32, #tpu.memory_space<vmem>> -> memref<20x128x256xf32, #tpu.memory_space<vmem>>
    %dma_start3A_50 = arith.constant 80 : i32
    %dma_start3A_51 = arith.constant 0 : i32
    %dma_start3A_52 = arith.constant 0 : i32
    %dma_start3A_53 = tpu.memref_slice %arg0[%dma_start3A_50, %dma_start3A_51, %dma_start3A_52] : memref<100x128x256xf32, #tpu.memory_space<hbm>> -> memref<20x128x256xf32, #tpu.memory_space<hbm>>
    tpu.enqueue_dma source(%dma_start3A_53 : memref<20x128x256xf32, #tpu.memory_space<hbm>>) target(%dma_start3A_49 : memref<20x128x256xf32, #tpu.memory_space<vmem>>) target_semaphore(%dma_start3A_44 : memref<!tpu.dma_semaphore, #tpu.memory_space<semaphore_mem>>)
    %dma_start3A_54 = arith.constant 1 : i32
    %dma_start3A_55 = arith.constant 1 : i32
    %dma_start3A_56 = tpu.memref_slice %arg31[%dma_start3A_55] : memref<4x!tpu.dma_semaphore, #tpu.memory_space<semaphore_mem>> -> memref<1x!tpu.dma_semaphore, #tpu.memory_space<semaphore_mem>>
    %dma_start3A_57 = tpu.memref_squeeze %dma_start3A_56 : memref<1x!tpu.dma_semaphore, #tpu.memory_space<semaphore_mem>> -> memref<!tpu.dma_semaphore, #tpu.memory_space<semaphore_mem>>
    %dma_start3A_58 = arith.constant 0 : i32
    %dma_start3A_59 = arith.constant 0 : i32
    %dma_start3A_60 = arith.constant 0 : i32
    %dma_start3A_61 = tpu.memref_slice %arg30[%dma_start3A_54, %dma_start3A_58, %dma_start3A_59, %dma_start3A_60] : memref<4x20x128x256xf32, #tpu.memory_space<vmem>> -> memref<1x20x128x256xf32, #tpu.memory_space<vmem>>
    %dma_start3A_62 = tpu.memref_squeeze %dma_start3A_61 : memref<1x20x128x256xf32, #tpu.memory_space<vmem>> -> memref<20x128x256xf32, #tpu.memory_space<vmem>>
    %dma_start3A_63 = arith.constant 20 : i32
    %dma_start3A_64 = arith.constant 0 : i32
    %dma_start3A_65 = arith.constant 0 : i32
    %dma_start3A_66 = tpu.memref_slice %arg0[%dma_start3A_63, %dma_start3A_64, %dma_start3A_65] : memref<100x128x256xf32, #tpu.memory_space<hbm>> -> memref<20x128x256xf32, #tpu.memory_space<hbm>>
    tpu.enqueue_dma source(%dma_start3A_66 : memref<20x128x256xf32, #tpu.memory_space<hbm>>) target(%dma_start3A_62 : memref<20x128x256xf32, #tpu.memory_space<vmem>>) target_semaphore(%dma_start3A_57 : memref<!tpu.dma_semaphore, #tpu.memory_space<semaphore_mem>>)
    %dma_start3A_67 = arith.constant 3 : i32
    %dma_start3A_68 = arith.constant 3 : i32
    %dma_start3A_69 = tpu.memref_slice %arg31[%dma_start3A_68] : memref<4x!tpu.dma_semaphore, #tpu.memory_space<semaphore_mem>> -> memref<1x!tpu.dma_semaphore, #tpu.memory_space<semaphore_mem>>
    %dma_start3A_70 = tpu.memref_squeeze %dma_start3A_69 : memref<1x!tpu.dma_semaphore, #tpu.memory_space<semaphore_mem>> -> memref<!tpu.dma_semaphore, #tpu.memory_space<semaphore_mem>>
    %dma_start3A_71 = arith.constant 0 : i32
    %dma_start3A_72 = arith.constant 0 : i32
    %dma_start3A_73 = arith.constant 0 : i32
    %dma_start3A_74 = tpu.memref_slice %arg30[%dma_start3A_67, %dma_start3A_71, %dma_start3A_72, %dma_start3A_73] : memref<4x20x128x256xf32, #tpu.memory_space<vmem>> -> memref<1x20x128x256xf32, #tpu.memory_space<vmem>>
    %dma_start3A_75 = tpu.memref_squeeze %dma_start3A_74 : memref<1x20x128x256xf32, #tpu.memory_space<vmem>> -> memref<20x128x256xf32, #tpu.memory_space<vmem>>
    %dma_start3A_76 = arith.constant 60 : i32
    %dma_start3A_77 = arith.constant 0 : i32
    %dma_start3A_78 = arith.constant 0 : i32
    %dma_start3A_79 = tpu.memref_slice %arg0[%dma_start3A_76, %dma_start3A_77, %dma_start3A_78] : memref<100x128x256xf32, #tpu.memory_space<hbm>> -> memref<20x128x256xf32, #tpu.memory_space<hbm>>
    tpu.enqueue_dma source(%dma_start3A_79 : memref<20x128x256xf32, #tpu.memory_space<hbm>>) target(%dma_start3A_75 : memref<20x128x256xf32, #tpu.memory_space<vmem>>) target_semaphore(%dma_start3A_70 : memref<!tpu.dma_semaphore, #tpu.memory_space<semaphore_mem>>)
    %broadcast_in_dim3A_80 = arith.constant 0.000000e+00 : f32
    %broadcast_in_dim3A_81 = vector.broadcast %broadcast_in_dim3A_80 : f32 to vector<128x256xf32>
    %scan3A = arith.constant 0 : i32
    %scan3A_82 = arith.constant 5 : i32
    %scan3A_83 = arith.addi %scan3A, %scan3A_82 : i32
    %scan3A_84 = arith.constant 1 : i32
    %scan3A_85:6 = scf.for %scan3A_375 = %scan3A to %scan3A_83 step %scan3A_84 iter_args(%scan3A_376 = %broadcast_in_dim3A_81, %scan3A_377 = %broadcast_in_dim3A_81, %scan3A_378 = %broadcast_in_dim3A_81, %scan3A_379 = %broadcast_in_dim3A_81, %scan3A_380 = %broadcast_in_dim3A_81, %scan3A_381 = %broadcast_in_dim3A_81) -> (vector<128x256xf32>, vector<128x256xf32>, vector<128x256xf32>, vector<128x256xf32>, vector<128x256xf32>, vector<128x256xf32>)  : i32 {
      %rem3A = arith.constant 2 : i32
      %rem3A_382 = arith.remsi %scan3A_375, %rem3A : i32
      %add3A_383 = arith.constant 2 : i32
      %add3A_384 = arith.addi %add3A_383, %rem3A_382 : i32
      %mul3A = arith.constant 20 : i32
      %mul3A_385 = arith.muli %scan3A_375, %mul3A : i32
      %dma_wait3A = tpu.memref_slice %arg31[%rem3A_382] : memref<4x!tpu.dma_semaphore, #tpu.memory_space<semaphore_mem>> -> memref<1x!tpu.dma_semaphore, #tpu.memory_space<semaphore_mem>>
      %dma_wait3A_386 = tpu.memref_squeeze %dma_wait3A : memref<1x!tpu.dma_semaphore, #tpu.memory_space<semaphore_mem>> -> memref<!tpu.dma_semaphore, #tpu.memory_space<semaphore_mem>>
      %dma_wait3A_387 = arith.constant 0 : i32
      %dma_wait3A_388 = arith.constant 0 : i32
      %dma_wait3A_389 = arith.constant 0 : i32
      %dma_wait3A_390 = tpu.memref_slice %arg30[%rem3A_382, %dma_wait3A_387, %dma_wait3A_388, %dma_wait3A_389] : memref<4x20x128x256xf32, #tpu.memory_space<vmem>> -> memref<1x20x128x256xf32, #tpu.memory_space<vmem>>
      %dma_wait3A_391 = tpu.memref_squeeze %dma_wait3A_390 : memref<1x20x128x256xf32, #tpu.memory_space<vmem>> -> memref<20x128x256xf32, #tpu.memory_space<vmem>>
      %dma_wait3A_392 = arith.constant 0 : i32
      %dma_wait3A_393 = arith.constant 0 : i32
      %dma_wait3A_394 = tpu.memref_slice %arg0[%mul3A_385, %dma_wait3A_392, %dma_wait3A_393] : memref<100x128x256xf32, #tpu.memory_space<hbm>> -> memref<20x128x256xf32, #tpu.memory_space<hbm>>
      tpu.wait_dma2 semaphore(%dma_wait3A_386 : memref<!tpu.dma_semaphore, #tpu.memory_space<semaphore_mem>>) src(%dma_wait3A_394 : memref<20x128x256xf32, #tpu.memory_space<hbm>>) dst(%dma_wait3A_391 : memref<20x128x256xf32, #tpu.memory_space<vmem>>)
      %sub3A = arith.constant 4 : i32
      %sub3A_395 = arith.subi %sub3A, %scan3A_375 : i32
      %mul3A_396 = arith.constant 20 : i32
      %mul3A_397 = arith.muli %sub3A_395, %mul3A_396 : i32
      %dma_wait3A_398 = tpu.memref_slice %arg31[%add3A_384] : memref<4x!tpu.dma_semaphore, #tpu.memory_space<semaphore_mem>> -> memref<1x!tpu.dma_semaphore, #tpu.memory_space<semaphore_mem>>
      %dma_wait3A_399 = tpu.memref_squeeze %dma_wait3A_398 : memref<1x!tpu.dma_semaphore, #tpu.memory_space<semaphore_mem>> -> memref<!tpu.dma_semaphore, #tpu.memory_space<semaphore_mem>>
      %dma_wait3A_400 = arith.constant 0 : i32
      %dma_wait3A_401 = arith.constant 0 : i32
      %dma_wait3A_402 = arith.constant 0 : i32
      %dma_wait3A_403 = tpu.memref_slice %arg30[%add3A_384, %dma_wait3A_400, %dma_wait3A_401, %dma_wait3A_402] : memref<4x20x128x256xf32, #tpu.memory_space<vmem>> -> memref<1x20x128x256xf32, #tpu.memory_space<vmem>>
      %dma_wait3A_404 = tpu.memref_squeeze %dma_wait3A_403 : memref<1x20x128x256xf32, #tpu.memory_space<vmem>> -> memref<20x128x256xf32, #tpu.memory_space<vmem>>
      %dma_wait3A_405 = arith.constant 0 : i32
      %dma_wait3A_406 = arith.constant 0 : i32
      %dma_wait3A_407 = tpu.memref_slice %arg0[%mul3A_397, %dma_wait3A_405, %dma_wait3A_406] : memref<100x128x256xf32, #tpu.memory_space<hbm>> -> memref<20x128x256xf32, #tpu.memory_space<hbm>>
      tpu.wait_dma2 semaphore(%dma_wait3A_399 : memref<!tpu.dma_semaphore, #tpu.memory_space<semaphore_mem>>) src(%dma_wait3A_407 : memref<20x128x256xf32, #tpu.memory_space<hbm>>) dst(%dma_wait3A_404 : memref<20x128x256xf32, #tpu.memory_space<vmem>>)
      %scan3A_408 = arith.constant 0 : i32
      %scan3A_409 = arith.constant 5 : i32
      %scan3A_410 = arith.addi %scan3A_408, %scan3A_409 : i32
      %scan3A_411 = arith.constant 1 : i32
      %scan3A_412:6 = scf.for %scan3A_420 = %scan3A_408 to %scan3A_410 step %scan3A_411 iter_args(%scan3A_421 = %scan3A_376, %scan3A_422 = %scan3A_377, %scan3A_423 = %scan3A_378, %scan3A_424 = %scan3A_379, %scan3A_425 = %scan3A_380, %scan3A_426 = %scan3A_381) -> (vector<128x256xf32>, vector<128x256xf32>, vector<128x256xf32>, vector<128x256xf32>, vector<128x256xf32>, vector<128x256xf32>)  : i32 {
        %mul3A_427 = arith.constant 4 : i32
        %mul3A_428 = arith.muli %mul3A_427, %scan3A_420 : i32
        %add3A_429 = arith.constant 0 : i32
        %add3A_430 = arith.addi %mul3A_428, %add3A_429 : i32
        %mul3A_431 = arith.constant 20 : i32
        %mul3A_432 = arith.muli %scan3A_375, %mul3A_431 : i32
        %add3A_433 = arith.addi %mul3A_432, %add3A_430 : i32
        %sub3A_434 = arith.constant 99 : i32
        %sub3A_435 = arith.subi %sub3A_434, %add3A_433 : i32
        %get3A_436 = arith.index_cast %rem3A_382 : i32 to index
        %get3A_437 = arith.index_cast %add3A_430 : i32 to index
        %get3A_438 = arith.constant 0 : index
        %get3A_439 = arith.constant 0 : index
        %get3A_440 = vector.load %arg30[%get3A_436, %get3A_437, %get3A_438, %get3A_439] : memref<4x20x128x256xf32, #tpu.memory_space<vmem>>, vector<1x1x128x256xf32>
        %get3A_441 = vector.shape_cast %get3A_440 : vector<1x1x128x256xf32> to vector<128x256xf32>
        %convert_element_type3A_442 = arith.truncf %get3A_441 : vector<128x256xf32> to vector<128x256xbf16>
        %sub3A_443 = arith.constant 19 : i32
        %sub3A_444 = arith.subi %sub3A_443, %add3A_430 : i32
        %get3A_445 = arith.index_cast %add3A_384 : i32 to index
        %get3A_446 = arith.index_cast %sub3A_444 : i32 to index
        %get3A_447 = arith.constant 0 : index
        %get3A_448 = arith.constant 0 : index
        %get3A_449 = vector.load %arg30[%get3A_445, %get3A_446, %get3A_447, %get3A_448] : memref<4x20x128x256xf32, #tpu.memory_space<vmem>>, vector<1x1x128x256xf32>
        %get3A_450 = vector.shape_cast %get3A_449 : vector<1x1x128x256xf32> to vector<128x256xf32>
        %convert_element_type3A_451 = arith.truncf %get3A_450 : vector<128x256xf32> to vector<128x256xbf16>
        %dot_general3A_452 = arith.constant dense<0.000000e+00> : vector<128x1024xf32>
        %dot_general3A_453 = tpu.matmul %convert_element_type3A_442, %get3A_13, %dot_general3A_452 {dimension_numbers = #tpu.dot_dimension_numbers<[1], [0], [0], [1], [0, 0, 1, 1], [], []>, transpose_lhs_hint = false} : vector<128x256xbf16>, vector<256x1024xbf16>, vector<128x1024xf32> -> vector<128x1024xf32>
        %convert_element_type3A_454 = arith.truncf %scan3A_421 : vector<128x256xf32> to vector<128x256xbf16>
        %dot_general3A_455 = arith.constant dense<0.000000e+00> : vector<128x1024xf32>
        %dot_general3A_456 = tpu.matmul %convert_element_type3A_454, %get3A_16, %dot_general3A_455 {dimension_numbers = #tpu.dot_dimension_numbers<[1], [0], [0], [1], [0, 0, 1, 1], [], []>, transpose_lhs_hint = false} : vector<128x256xbf16>, vector<256x1024xbf16>, vector<128x1024xf32> -> vector<128x1024xf32>
        %add3A_457 = arith.addf %dot_general3A_453, %dot_general3A_456 : vector<128x1024xf32>
        %add3A_458 = vector.broadcast %get3A_25 : vector<1x1024xf32> to vector<128x1024xf32>
        %add3A_459 = arith.addf %add3A_457, %add3A_458 : vector<128x1024xf32>
        %dot_general3A_460 = arith.constant dense<0.000000e+00> : vector<128x1024xf32>
        %dot_general3A_461 = tpu.matmul %convert_element_type3A_451, %get3A_19, %dot_general3A_460 {dimension_numbers = #tpu.dot_dimension_numbers<[1], [0], [0], [1], [0, 0, 1, 1], [], []>, transpose_lhs_hint = false} : vector<128x256xbf16>, vector<256x1024xbf16>, vector<128x1024xf32> -> vector<128x1024xf32>
        %convert_element_type3A_462 = arith.truncf %scan3A_424 : vector<128x256xf32> to vector<128x256xbf16>
        %dot_general3A_463 = arith.constant dense<0.000000e+00> : vector<128x1024xf32>
        %dot_general3A_464 = tpu.matmul %convert_element_type3A_462, %get3A_22, %dot_general3A_463 {dimension_numbers = #tpu.dot_dimension_numbers<[1], [0], [0], [1], [0, 0, 1, 1], [], []>, transpose_lhs_hint = false} : vector<128x256xbf16>, vector<256x1024xbf16>, vector<128x1024xf32> -> vector<128x1024xf32>
        %add3A_465 = arith.addf %dot_general3A_461, %dot_general3A_464 : vector<128x1024xf32>
        %add3A_466 = vector.broadcast %get3A_28 : vector<1x1024xf32> to vector<128x1024xf32>
        %add3A_467 = arith.addf %add3A_465, %add3A_466 : vector<128x1024xf32>
        %slice3A = vector.extract_strided_slice %add3A_459 {offsets = [0, 0], sizes = [128, 256], strides = [1, 1]} : vector<128x1024xf32> to vector<128x256xf32>
        %slice3A_468 = vector.extract_strided_slice %add3A_459 {offsets = [0, 256], sizes = [128, 256], strides = [1, 1]} : vector<128x1024xf32> to vector<128x256xf32>
        %slice3A_469 = vector.extract_strided_slice %add3A_459 {offsets = [0, 512], sizes = [128, 256], strides = [1, 1]} : vector<128x1024xf32> to vector<128x256xf32>
        %slice3A_470 = vector.extract_strided_slice %add3A_459 {offsets = [0, 768], sizes = [128, 256], strides = [1, 1]} : vector<128x1024xf32> to vector<128x256xf32>
        %logistic3A_471 = arith.negf %slice3A_468 : vector<128x256xf32>
        %logistic3A_472 = math.exp %logistic3A_471 : vector<128x256xf32>
        %logistic3A_473 = arith.constant 1.000000e+00 : f32
        %logistic3A_474 = vector.broadcast %logistic3A_473 : f32 to vector<128x256xf32>
        %logistic3A_475 = arith.addf %logistic3A_474, %logistic3A_472 : vector<128x256xf32>
        %logistic3A_476 = arith.divf %logistic3A_474, %logistic3A_475 : vector<128x256xf32>
        %mul3A_477 = arith.mulf %logistic3A_476, %scan3A_422 : vector<128x256xf32>
        %logistic3A_478 = arith.negf %slice3A : vector<128x256xf32>
        %logistic3A_479 = math.exp %logistic3A_478 : vector<128x256xf32>
        %logistic3A_480 = arith.constant 1.000000e+00 : f32
        %logistic3A_481 = vector.broadcast %logistic3A_480 : f32 to vector<128x256xf32>
        %logistic3A_482 = arith.addf %logistic3A_481, %logistic3A_479 : vector<128x256xf32>
        %logistic3A_483 = arith.divf %logistic3A_481, %logistic3A_482 : vector<128x256xf32>
        %tanh3A_484 = math.tanh %slice3A_469 : vector<128x256xf32>
        %mul3A_485 = arith.mulf %logistic3A_483, %tanh3A_484 : vector<128x256xf32>
        %add3A_486 = arith.addf %mul3A_477, %mul3A_485 : vector<128x256xf32>
        %logistic3A_487 = arith.negf %slice3A_470 : vector<128x256xf32>
        %logistic3A_488 = math.exp %logistic3A_487 : vector<128x256xf32>
        %logistic3A_489 = arith.constant 1.000000e+00 : f32
        %logistic3A_490 = vector.broadcast %logistic3A_489 : f32 to vector<128x256xf32>
        %logistic3A_491 = arith.addf %logistic3A_490, %logistic3A_488 : vector<128x256xf32>
        %logistic3A_492 = arith.divf %logistic3A_490, %logistic3A_491 : vector<128x256xf32>
        %tanh3A_493 = math.tanh %add3A_486 : vector<128x256xf32>
        %mul3A_494 = arith.mulf %logistic3A_492, %tanh3A_493 : vector<128x256xf32>
        %slice3A_495 = vector.extract_strided_slice %add3A_467 {offsets = [0, 0], sizes = [128, 256], strides = [1, 1]} : vector<128x1024xf32> to vector<128x256xf32>
        %slice3A_496 = vector.extract_strided_slice %add3A_467 {offsets = [0, 256], sizes = [128, 256], strides = [1, 1]} : vector<128x1024xf32> to vector<128x256xf32>
        %slice3A_497 = vector.extract_strided_slice %add3A_467 {offsets = [0, 512], sizes = [128, 256], strides = [1, 1]} : vector<128x1024xf32> to vector<128x256xf32>
        %slice3A_498 = vector.extract_strided_slice %add3A_467 {offsets = [0, 768], sizes = [128, 256], strides = [1, 1]} : vector<128x1024xf32> to vector<128x256xf32>
        %logistic3A_499 = arith.negf %slice3A_496 : vector<128x256xf32>
        %logistic3A_500 = math.exp %logistic3A_499 : vector<128x256xf32>
        %logistic3A_501 = arith.constant 1.000000e+00 : f32
        %logistic3A_502 = vector.broadcast %logistic3A_501 : f32 to vector<128x256xf32>
        %logistic3A_503 = arith.addf %logistic3A_502, %logistic3A_500 : vector<128x256xf32>
        %logistic3A_504 = arith.divf %logistic3A_502, %logistic3A_503 : vector<128x256xf32>
        %mul3A_505 = arith.mulf %logistic3A_504, %scan3A_425 : vector<128x256xf32>
        %logistic3A_506 = arith.negf %slice3A_495 : vector<128x256xf32>
        %logistic3A_507 = math.exp %logistic3A_506 : vector<128x256xf32>
        %logistic3A_508 = arith.constant 1.000000e+00 : f32
        %logistic3A_509 = vector.broadcast %logistic3A_508 : f32 to vector<128x256xf32>
        %logistic3A_510 = arith.addf %logistic3A_509, %logistic3A_507 : vector<128x256xf32>
        %logistic3A_511 = arith.divf %logistic3A_509, %logistic3A_510 : vector<128x256xf32>
        %tanh3A_512 = math.tanh %slice3A_497 : vector<128x256xf32>
        %mul3A_513 = arith.mulf %logistic3A_511, %tanh3A_512 : vector<128x256xf32>
        %add3A_514 = arith.addf %mul3A_505, %mul3A_513 : vector<128x256xf32>
        %logistic3A_515 = arith.negf %slice3A_498 : vector<128x256xf32>
        %logistic3A_516 = math.exp %logistic3A_515 : vector<128x256xf32>
        %logistic3A_517 = arith.constant 1.000000e+00 : f32
        %logistic3A_518 = vector.broadcast %logistic3A_517 : f32 to vector<128x256xf32>
        %logistic3A_519 = arith.addf %logistic3A_518, %logistic3A_516 : vector<128x256xf32>
        %logistic3A_520 = arith.divf %logistic3A_518, %logistic3A_519 : vector<128x256xf32>
        %tanh3A_521 = math.tanh %add3A_514 : vector<128x256xf32>
        %mul3A_522 = arith.mulf %logistic3A_520, %tanh3A_521 : vector<128x256xf32>
        %lt3A_523 = vector.broadcast %add3A_433 : i32 to vector<128x1xi32>
        %lt3A_524 = arith.cmpi slt, %lt3A_523, %broadcast_in_dim3A : vector<128x1xi32>
        %jit3A_525 = arith.constant 1.000000e+00 : f32
        %jit3A_526 = arith.constant 0.000000e+00 : f32
        %broadcast_in_dim3A_527 = vector.broadcast %jit3A_525 : f32 to vector<128x1xf32>
        %broadcast_in_dim3A_528 = vector.broadcast %jit3A_526 : f32 to vector<128x1xf32>
        %select_n3A_529 = arith.select %lt3A_524, %broadcast_in_dim3A_527, %broadcast_in_dim3A_528 : vector<128x1xi1>, vector<128x1xf32>
        %lt3A_530 = vector.broadcast %sub3A_435 : i32 to vector<128x1xi32>
        %lt3A_531 = arith.cmpi slt, %lt3A_530, %broadcast_in_dim3A : vector<128x1xi32>
        %jit3A_532 = arith.constant 1.000000e+00 : f32
        %jit3A_533 = arith.constant 0.000000e+00 : f32
        %broadcast_in_dim3A_534 = vector.broadcast %jit3A_532 : f32 to vector<128x1xf32>
        %broadcast_in_dim3A_535 = vector.broadcast %jit3A_533 : f32 to vector<128x1xf32>
        %select_n3A_536 = arith.select %lt3A_531, %broadcast_in_dim3A_534, %broadcast_in_dim3A_535 : vector<128x1xi1>, vector<128x1xf32>
        %mul3A_537 = vector.broadcast %select_n3A_529 : vector<128x1xf32> to vector<128x256xf32>
        %mul3A_538 = arith.mulf %mul3A_494, %mul3A_537 : vector<128x256xf32>
        %add3A_539 = arith.addf %scan3A_423, %mul3A_538 : vector<128x256xf32>
        %mul3A_540 = vector.broadcast %select_n3A_536 : vector<128x1xf32> to vector<128x256xf32>
        %mul3A_541 = arith.mulf %mul3A_522, %mul3A_540 : vector<128x256xf32>
        %add3A_542 = arith.addf %scan3A_426, %mul3A_541 : vector<128x256xf32>
        %mul3A_543 = arith.constant 4 : i32
        %mul3A_544 = arith.muli %mul3A_543, %scan3A_420 : i32
        %add3A_545 = arith.constant 1 : i32
        %add3A_546 = arith.addi %mul3A_544, %add3A_545 : i32
        %mul3A_547 = arith.constant 20 : i32
        %mul3A_548 = arith.muli %scan3A_375, %mul3A_547 : i32
        %add3A_549 = arith.addi %mul3A_548, %add3A_546 : i32
        %sub3A_550 = arith.constant 99 : i32
        %sub3A_551 = arith.subi %sub3A_550, %add3A_549 : i32
        %get3A_552 = arith.index_cast %rem3A_382 : i32 to index
        %get3A_553 = arith.index_cast %add3A_546 : i32 to index
        %get3A_554 = arith.constant 0 : index
        %get3A_555 = arith.constant 0 : index
        %get3A_556 = vector.load %arg30[%get3A_552, %get3A_553, %get3A_554, %get3A_555] : memref<4x20x128x256xf32, #tpu.memory_space<vmem>>, vector<1x1x128x256xf32>
        %get3A_557 = vector.shape_cast %get3A_556 : vector<1x1x128x256xf32> to vector<128x256xf32>
        %convert_element_type3A_558 = arith.truncf %get3A_557 : vector<128x256xf32> to vector<128x256xbf16>
        %sub3A_559 = arith.constant 19 : i32
        %sub3A_560 = arith.subi %sub3A_559, %add3A_546 : i32
        %get3A_561 = arith.index_cast %add3A_384 : i32 to index
        %get3A_562 = arith.index_cast %sub3A_560 : i32 to index
        %get3A_563 = arith.constant 0 : index
        %get3A_564 = arith.constant 0 : index
        %get3A_565 = vector.load %arg30[%get3A_561, %get3A_562, %get3A_563, %get3A_564] : memref<4x20x128x256xf32, #tpu.memory_space<vmem>>, vector<1x1x128x256xf32>
        %get3A_566 = vector.shape_cast %get3A_565 : vector<1x1x128x256xf32> to vector<128x256xf32>
        %convert_element_type3A_567 = arith.truncf %get3A_566 : vector<128x256xf32> to vector<128x256xbf16>
        %dot_general3A_568 = arith.constant dense<0.000000e+00> : vector<128x1024xf32>
        %dot_general3A_569 = tpu.matmul %convert_element_type3A_558, %get3A_13, %dot_general3A_568 {dimension_numbers = #tpu.dot_dimension_numbers<[1], [0], [0], [1], [0, 0, 1, 1], [], []>, transpose_lhs_hint = false} : vector<128x256xbf16>, vector<256x1024xbf16>, vector<128x1024xf32> -> vector<128x1024xf32>
        %convert_element_type3A_570 = arith.truncf %mul3A_494 : vector<128x256xf32> to vector<128x256xbf16>
        %dot_general3A_571 = arith.constant dense<0.000000e+00> : vector<128x1024xf32>
        %dot_general3A_572 = tpu.matmul %convert_element_type3A_570, %get3A_16, %dot_general3A_571 {dimension_numbers = #tpu.dot_dimension_numbers<[1], [0], [0], [1], [0, 0, 1, 1], [], []>, transpose_lhs_hint = false} : vector<128x256xbf16>, vector<256x1024xbf16>, vector<128x1024xf32> -> vector<128x1024xf32>
        %add3A_573 = arith.addf %dot_general3A_569, %dot_general3A_572 : vector<128x1024xf32>
        %add3A_574 = vector.broadcast %get3A_25 : vector<1x1024xf32> to vector<128x1024xf32>
        %add3A_575 = arith.addf %add3A_573, %add3A_574 : vector<128x1024xf32>
        %dot_general3A_576 = arith.constant dense<0.000000e+00> : vector<128x1024xf32>
        %dot_general3A_577 = tpu.matmul %convert_element_type3A_567, %get3A_19, %dot_general3A_576 {dimension_numbers = #tpu.dot_dimension_numbers<[1], [0], [0], [1], [0, 0, 1, 1], [], []>, transpose_lhs_hint = false} : vector<128x256xbf16>, vector<256x1024xbf16>, vector<128x1024xf32> -> vector<128x1024xf32>
        %convert_element_type3A_578 = arith.truncf %mul3A_522 : vector<128x256xf32> to vector<128x256xbf16>
        %dot_general3A_579 = arith.constant dense<0.000000e+00> : vector<128x1024xf32>
        %dot_general3A_580 = tpu.matmul %convert_element_type3A_578, %get3A_22, %dot_general3A_579 {dimension_numbers = #tpu.dot_dimension_numbers<[1], [0], [0], [1], [0, 0, 1, 1], [], []>, transpose_lhs_hint = false} : vector<128x256xbf16>, vector<256x1024xbf16>, vector<128x1024xf32> -> vector<128x1024xf32>
        %add3A_581 = arith.addf %dot_general3A_577, %dot_general3A_580 : vector<128x1024xf32>
        %add3A_582 = vector.broadcast %get3A_28 : vector<1x1024xf32> to vector<128x1024xf32>
        %add3A_583 = arith.addf %add3A_581, %add3A_582 : vector<128x1024xf32>
        %slice3A_584 = vector.extract_strided_slice %add3A_575 {offsets = [0, 0], sizes = [128, 256], strides = [1, 1]} : vector<128x1024xf32> to vector<128x256xf32>
        %slice3A_585 = vector.extract_strided_slice %add3A_575 {offsets = [0, 256], sizes = [128, 256], strides = [1, 1]} : vector<128x1024xf32> to vector<128x256xf32>
        %slice3A_586 = vector.extract_strided_slice %add3A_575 {offsets = [0, 512], sizes = [128, 256], strides = [1, 1]} : vector<128x1024xf32> to vector<128x256xf32>
        %slice3A_587 = vector.extract_strided_slice %add3A_575 {offsets = [0, 768], sizes = [128, 256], strides = [1, 1]} : vector<128x1024xf32> to vector<128x256xf32>
        %logistic3A_588 = arith.negf %slice3A_585 : vector<128x256xf32>
        %logistic3A_589 = math.exp %logistic3A_588 : vector<128x256xf32>
        %logistic3A_590 = arith.constant 1.000000e+00 : f32
        %logistic3A_591 = vector.broadcast %logistic3A_590 : f32 to vector<128x256xf32>
        %logistic3A_592 = arith.addf %logistic3A_591, %logistic3A_589 : vector<128x256xf32>
        %logistic3A_593 = arith.divf %logistic3A_591, %logistic3A_592 : vector<128x256xf32>
        %mul3A_594 = arith.mulf %logistic3A_593, %add3A_486 : vector<128x256xf32>
        %logistic3A_595 = arith.negf %slice3A_584 : vector<128x256xf32>
        %logistic3A_596 = math.exp %logistic3A_595 : vector<128x256xf32>
        %logistic3A_597 = arith.constant 1.000000e+00 : f32
        %logistic3A_598 = vector.broadcast %logistic3A_597 : f32 to vector<128x256xf32>
        %logistic3A_599 = arith.addf %logistic3A_598, %logistic3A_596 : vector<128x256xf32>
        %logistic3A_600 = arith.divf %logistic3A_598, %logistic3A_599 : vector<128x256xf32>
        %tanh3A_601 = math.tanh %slice3A_586 : vector<128x256xf32>
        %mul3A_602 = arith.mulf %logistic3A_600, %tanh3A_601 : vector<128x256xf32>
        %add3A_603 = arith.addf %mul3A_594, %mul3A_602 : vector<128x256xf32>
        %logistic3A_604 = arith.negf %slice3A_587 : vector<128x256xf32>
        %logistic3A_605 = math.exp %logistic3A_604 : vector<128x256xf32>
        %logistic3A_606 = arith.constant 1.000000e+00 : f32
        %logistic3A_607 = vector.broadcast %logistic3A_606 : f32 to vector<128x256xf32>
        %logistic3A_608 = arith.addf %logistic3A_607, %logistic3A_605 : vector<128x256xf32>
        %logistic3A_609 = arith.divf %logistic3A_607, %logistic3A_608 : vector<128x256xf32>
        %tanh3A_610 = math.tanh %add3A_603 : vector<128x256xf32>
        %mul3A_611 = arith.mulf %logistic3A_609, %tanh3A_610 : vector<128x256xf32>
        %slice3A_612 = vector.extract_strided_slice %add3A_583 {offsets = [0, 0], sizes = [128, 256], strides = [1, 1]} : vector<128x1024xf32> to vector<128x256xf32>
        %slice3A_613 = vector.extract_strided_slice %add3A_583 {offsets = [0, 256], sizes = [128, 256], strides = [1, 1]} : vector<128x1024xf32> to vector<128x256xf32>
        %slice3A_614 = vector.extract_strided_slice %add3A_583 {offsets = [0, 512], sizes = [128, 256], strides = [1, 1]} : vector<128x1024xf32> to vector<128x256xf32>
        %slice3A_615 = vector.extract_strided_slice %add3A_583 {offsets = [0, 768], sizes = [128, 256], strides = [1, 1]} : vector<128x1024xf32> to vector<128x256xf32>
        %logistic3A_616 = arith.negf %slice3A_613 : vector<128x256xf32>
        %logistic3A_617 = math.exp %logistic3A_616 : vector<128x256xf32>
        %logistic3A_618 = arith.constant 1.000000e+00 : f32
        %logistic3A_619 = vector.broadcast %logistic3A_618 : f32 to vector<128x256xf32>
        %logistic3A_620 = arith.addf %logistic3A_619, %logistic3A_617 : vector<128x256xf32>
        %logistic3A_621 = arith.divf %logistic3A_619, %logistic3A_620 : vector<128x256xf32>
        %mul3A_622 = arith.mulf %logistic3A_621, %add3A_514 : vector<128x256xf32>
        %logistic3A_623 = arith.negf %slice3A_612 : vector<128x256xf32>
        %logistic3A_624 = math.exp %logistic3A_623 : vector<128x256xf32>
        %logistic3A_625 = arith.constant 1.000000e+00 : f32
        %logistic3A_626 = vector.broadcast %logistic3A_625 : f32 to vector<128x256xf32>
        %logistic3A_627 = arith.addf %logistic3A_626, %logistic3A_624 : vector<128x256xf32>
        %logistic3A_628 = arith.divf %logistic3A_626, %logistic3A_627 : vector<128x256xf32>
        %tanh3A_629 = math.tanh %slice3A_614 : vector<128x256xf32>
        %mul3A_630 = arith.mulf %logistic3A_628, %tanh3A_629 : vector<128x256xf32>
        %add3A_631 = arith.addf %mul3A_622, %mul3A_630 : vector<128x256xf32>
        %logistic3A_632 = arith.negf %slice3A_615 : vector<128x256xf32>
        %logistic3A_633 = math.exp %logistic3A_632 : vector<128x256xf32>
        %logistic3A_634 = arith.constant 1.000000e+00 : f32
        %logistic3A_635 = vector.broadcast %logistic3A_634 : f32 to vector<128x256xf32>
        %logistic3A_636 = arith.addf %logistic3A_635, %logistic3A_633 : vector<128x256xf32>
        %logistic3A_637 = arith.divf %logistic3A_635, %logistic3A_636 : vector<128x256xf32>
        %tanh3A_638 = math.tanh %add3A_631 : vector<128x256xf32>
        %mul3A_639 = arith.mulf %logistic3A_637, %tanh3A_638 : vector<128x256xf32>
        %lt3A_640 = vector.broadcast %add3A_549 : i32 to vector<128x1xi32>
        %lt3A_641 = arith.cmpi slt, %lt3A_640, %broadcast_in_dim3A : vector<128x1xi32>
        %jit3A_642 = arith.constant 1.000000e+00 : f32
        %jit3A_643 = arith.constant 0.000000e+00 : f32
        %broadcast_in_dim3A_644 = vector.broadcast %jit3A_642 : f32 to vector<128x1xf32>
        %broadcast_in_dim3A_645 = vector.broadcast %jit3A_643 : f32 to vector<128x1xf32>
        %select_n3A_646 = arith.select %lt3A_641, %broadcast_in_dim3A_644, %broadcast_in_dim3A_645 : vector<128x1xi1>, vector<128x1xf32>
        %lt3A_647 = vector.broadcast %sub3A_551 : i32 to vector<128x1xi32>
        %lt3A_648 = arith.cmpi slt, %lt3A_647, %broadcast_in_dim3A : vector<128x1xi32>
        %jit3A_649 = arith.constant 1.000000e+00 : f32
        %jit3A_650 = arith.constant 0.000000e+00 : f32
        %broadcast_in_dim3A_651 = vector.broadcast %jit3A_649 : f32 to vector<128x1xf32>
        %broadcast_in_dim3A_652 = vector.broadcast %jit3A_650 : f32 to vector<128x1xf32>
        %select_n3A_653 = arith.select %lt3A_648, %broadcast_in_dim3A_651, %broadcast_in_dim3A_652 : vector<128x1xi1>, vector<128x1xf32>
        %mul3A_654 = vector.broadcast %select_n3A_646 : vector<128x1xf32> to vector<128x256xf32>
        %mul3A_655 = arith.mulf %mul3A_611, %mul3A_654 : vector<128x256xf32>
        %add3A_656 = arith.addf %add3A_539, %mul3A_655 : vector<128x256xf32>
        %mul3A_657 = vector.broadcast %select_n3A_653 : vector<128x1xf32> to vector<128x256xf32>
        %mul3A_658 = arith.mulf %mul3A_639, %mul3A_657 : vector<128x256xf32>
        %add3A_659 = arith.addf %add3A_542, %mul3A_658 : vector<128x256xf32>
        %mul3A_660 = arith.constant 4 : i32
        %mul3A_661 = arith.muli %mul3A_660, %scan3A_420 : i32
        %add3A_662 = arith.constant 2 : i32
        %add3A_663 = arith.addi %mul3A_661, %add3A_662 : i32
        %mul3A_664 = arith.constant 20 : i32
        %mul3A_665 = arith.muli %scan3A_375, %mul3A_664 : i32
        %add3A_666 = arith.addi %mul3A_665, %add3A_663 : i32
        %sub3A_667 = arith.constant 99 : i32
        %sub3A_668 = arith.subi %sub3A_667, %add3A_666 : i32
        %get3A_669 = arith.index_cast %rem3A_382 : i32 to index
        %get3A_670 = arith.index_cast %add3A_663 : i32 to index
        %get3A_671 = arith.constant 0 : index
        %get3A_672 = arith.constant 0 : index
        %get3A_673 = vector.load %arg30[%get3A_669, %get3A_670, %get3A_671, %get3A_672] : memref<4x20x128x256xf32, #tpu.memory_space<vmem>>, vector<1x1x128x256xf32>
        %get3A_674 = vector.shape_cast %get3A_673 : vector<1x1x128x256xf32> to vector<128x256xf32>
        %convert_element_type3A_675 = arith.truncf %get3A_674 : vector<128x256xf32> to vector<128x256xbf16>
        %sub3A_676 = arith.constant 19 : i32
        %sub3A_677 = arith.subi %sub3A_676, %add3A_663 : i32
        %get3A_678 = arith.index_cast %add3A_384 : i32 to index
        %get3A_679 = arith.index_cast %sub3A_677 : i32 to index
        %get3A_680 = arith.constant 0 : index
        %get3A_681 = arith.constant 0 : index
        %get3A_682 = vector.load %arg30[%get3A_678, %get3A_679, %get3A_680, %get3A_681] : memref<4x20x128x256xf32, #tpu.memory_space<vmem>>, vector<1x1x128x256xf32>
        %get3A_683 = vector.shape_cast %get3A_682 : vector<1x1x128x256xf32> to vector<128x256xf32>
        %convert_element_type3A_684 = arith.truncf %get3A_683 : vector<128x256xf32> to vector<128x256xbf16>
        %dot_general3A_685 = arith.constant dense<0.000000e+00> : vector<128x1024xf32>
        %dot_general3A_686 = tpu.matmul %convert_element_type3A_675, %get3A_13, %dot_general3A_685 {dimension_numbers = #tpu.dot_dimension_numbers<[1], [0], [0], [1], [0, 0, 1, 1], [], []>, transpose_lhs_hint = false} : vector<128x256xbf16>, vector<256x1024xbf16>, vector<128x1024xf32> -> vector<128x1024xf32>
        %convert_element_type3A_687 = arith.truncf %mul3A_611 : vector<128x256xf32> to vector<128x256xbf16>
        %dot_general3A_688 = arith.constant dense<0.000000e+00> : vector<128x1024xf32>
        %dot_general3A_689 = tpu.matmul %convert_element_type3A_687, %get3A_16, %dot_general3A_688 {dimension_numbers = #tpu.dot_dimension_numbers<[1], [0], [0], [1], [0, 0, 1, 1], [], []>, transpose_lhs_hint = false} : vector<128x256xbf16>, vector<256x1024xbf16>, vector<128x1024xf32> -> vector<128x1024xf32>
        %add3A_690 = arith.addf %dot_general3A_686, %dot_general3A_689 : vector<128x1024xf32>
        %add3A_691 = vector.broadcast %get3A_25 : vector<1x1024xf32> to vector<128x1024xf32>
        %add3A_692 = arith.addf %add3A_690, %add3A_691 : vector<128x1024xf32>
        %dot_general3A_693 = arith.constant dense<0.000000e+00> : vector<128x1024xf32>
        %dot_general3A_694 = tpu.matmul %convert_element_type3A_684, %get3A_19, %dot_general3A_693 {dimension_numbers = #tpu.dot_dimension_numbers<[1], [0], [0], [1], [0, 0, 1, 1], [], []>, transpose_lhs_hint = false} : vector<128x256xbf16>, vector<256x1024xbf16>, vector<128x1024xf32> -> vector<128x1024xf32>
        %convert_element_type3A_695 = arith.truncf %mul3A_639 : vector<128x256xf32> to vector<128x256xbf16>
        %dot_general3A_696 = arith.constant dense<0.000000e+00> : vector<128x1024xf32>
        %dot_general3A_697 = tpu.matmul %convert_element_type3A_695, %get3A_22, %dot_general3A_696 {dimension_numbers = #tpu.dot_dimension_numbers<[1], [0], [0], [1], [0, 0, 1, 1], [], []>, transpose_lhs_hint = false} : vector<128x256xbf16>, vector<256x1024xbf16>, vector<128x1024xf32> -> vector<128x1024xf32>
        %add3A_698 = arith.addf %dot_general3A_694, %dot_general3A_697 : vector<128x1024xf32>
        %add3A_699 = vector.broadcast %get3A_28 : vector<1x1024xf32> to vector<128x1024xf32>
        %add3A_700 = arith.addf %add3A_698, %add3A_699 : vector<128x1024xf32>
        %slice3A_701 = vector.extract_strided_slice %add3A_692 {offsets = [0, 0], sizes = [128, 256], strides = [1, 1]} : vector<128x1024xf32> to vector<128x256xf32>
        %slice3A_702 = vector.extract_strided_slice %add3A_692 {offsets = [0, 256], sizes = [128, 256], strides = [1, 1]} : vector<128x1024xf32> to vector<128x256xf32>
        %slice3A_703 = vector.extract_strided_slice %add3A_692 {offsets = [0, 512], sizes = [128, 256], strides = [1, 1]} : vector<128x1024xf32> to vector<128x256xf32>
        %slice3A_704 = vector.extract_strided_slice %add3A_692 {offsets = [0, 768], sizes = [128, 256], strides = [1, 1]} : vector<128x1024xf32> to vector<128x256xf32>
        %logistic3A_705 = arith.negf %slice3A_702 : vector<128x256xf32>
        %logistic3A_706 = math.exp %logistic3A_705 : vector<128x256xf32>
        %logistic3A_707 = arith.constant 1.000000e+00 : f32
        %logistic3A_708 = vector.broadcast %logistic3A_707 : f32 to vector<128x256xf32>
        %logistic3A_709 = arith.addf %logistic3A_708, %logistic3A_706 : vector<128x256xf32>
        %logistic3A_710 = arith.divf %logistic3A_708, %logistic3A_709 : vector<128x256xf32>
        %mul3A_711 = arith.mulf %logistic3A_710, %add3A_603 : vector<128x256xf32>
        %logistic3A_712 = arith.negf %slice3A_701 : vector<128x256xf32>
        %logistic3A_713 = math.exp %logistic3A_712 : vector<128x256xf32>
        %logistic3A_714 = arith.constant 1.000000e+00 : f32
        %logistic3A_715 = vector.broadcast %logistic3A_714 : f32 to vector<128x256xf32>
        %logistic3A_716 = arith.addf %logistic3A_715, %logistic3A_713 : vector<128x256xf32>
        %logistic3A_717 = arith.divf %logistic3A_715, %logistic3A_716 : vector<128x256xf32>
        %tanh3A_718 = math.tanh %slice3A_703 : vector<128x256xf32>
        %mul3A_719 = arith.mulf %logistic3A_717, %tanh3A_718 : vector<128x256xf32>
        %add3A_720 = arith.addf %mul3A_711, %mul3A_719 : vector<128x256xf32>
        %logistic3A_721 = arith.negf %slice3A_704 : vector<128x256xf32>
        %logistic3A_722 = math.exp %logistic3A_721 : vector<128x256xf32>
        %logistic3A_723 = arith.constant 1.000000e+00 : f32
        %logistic3A_724 = vector.broadcast %logistic3A_723 : f32 to vector<128x256xf32>
        %logistic3A_725 = arith.addf %logistic3A_724, %logistic3A_722 : vector<128x256xf32>
        %logistic3A_726 = arith.divf %logistic3A_724, %logistic3A_725 : vector<128x256xf32>
        %tanh3A_727 = math.tanh %add3A_720 : vector<128x256xf32>
        %mul3A_728 = arith.mulf %logistic3A_726, %tanh3A_727 : vector<128x256xf32>
        %slice3A_729 = vector.extract_strided_slice %add3A_700 {offsets = [0, 0], sizes = [128, 256], strides = [1, 1]} : vector<128x1024xf32> to vector<128x256xf32>
        %slice3A_730 = vector.extract_strided_slice %add3A_700 {offsets = [0, 256], sizes = [128, 256], strides = [1, 1]} : vector<128x1024xf32> to vector<128x256xf32>
        %slice3A_731 = vector.extract_strided_slice %add3A_700 {offsets = [0, 512], sizes = [128, 256], strides = [1, 1]} : vector<128x1024xf32> to vector<128x256xf32>
        %slice3A_732 = vector.extract_strided_slice %add3A_700 {offsets = [0, 768], sizes = [128, 256], strides = [1, 1]} : vector<128x1024xf32> to vector<128x256xf32>
        %logistic3A_733 = arith.negf %slice3A_730 : vector<128x256xf32>
        %logistic3A_734 = math.exp %logistic3A_733 : vector<128x256xf32>
        %logistic3A_735 = arith.constant 1.000000e+00 : f32
        %logistic3A_736 = vector.broadcast %logistic3A_735 : f32 to vector<128x256xf32>
        %logistic3A_737 = arith.addf %logistic3A_736, %logistic3A_734 : vector<128x256xf32>
        %logistic3A_738 = arith.divf %logistic3A_736, %logistic3A_737 : vector<128x256xf32>
        %mul3A_739 = arith.mulf %logistic3A_738, %add3A_631 : vector<128x256xf32>
        %logistic3A_740 = arith.negf %slice3A_729 : vector<128x256xf32>
        %logistic3A_741 = math.exp %logistic3A_740 : vector<128x256xf32>
        %logistic3A_742 = arith.constant 1.000000e+00 : f32
        %logistic3A_743 = vector.broadcast %logistic3A_742 : f32 to vector<128x256xf32>
        %logistic3A_744 = arith.addf %logistic3A_743, %logistic3A_741 : vector<128x256xf32>
        %logistic3A_745 = arith.divf %logistic3A_743, %logistic3A_744 : vector<128x256xf32>
        %tanh3A_746 = math.tanh %slice3A_731 : vector<128x256xf32>
        %mul3A_747 = arith.mulf %logistic3A_745, %tanh3A_746 : vector<128x256xf32>
        %add3A_748 = arith.addf %mul3A_739, %mul3A_747 : vector<128x256xf32>
        %logistic3A_749 = arith.negf %slice3A_732 : vector<128x256xf32>
        %logistic3A_750 = math.exp %logistic3A_749 : vector<128x256xf32>
        %logistic3A_751 = arith.constant 1.000000e+00 : f32
        %logistic3A_752 = vector.broadcast %logistic3A_751 : f32 to vector<128x256xf32>
        %logistic3A_753 = arith.addf %logistic3A_752, %logistic3A_750 : vector<128x256xf32>
        %logistic3A_754 = arith.divf %logistic3A_752, %logistic3A_753 : vector<128x256xf32>
        %tanh3A_755 = math.tanh %add3A_748 : vector<128x256xf32>
        %mul3A_756 = arith.mulf %logistic3A_754, %tanh3A_755 : vector<128x256xf32>
        %lt3A_757 = vector.broadcast %add3A_666 : i32 to vector<128x1xi32>
        %lt3A_758 = arith.cmpi slt, %lt3A_757, %broadcast_in_dim3A : vector<128x1xi32>
        %jit3A_759 = arith.constant 1.000000e+00 : f32
        %jit3A_760 = arith.constant 0.000000e+00 : f32
        %broadcast_in_dim3A_761 = vector.broadcast %jit3A_759 : f32 to vector<128x1xf32>
        %broadcast_in_dim3A_762 = vector.broadcast %jit3A_760 : f32 to vector<128x1xf32>
        %select_n3A_763 = arith.select %lt3A_758, %broadcast_in_dim3A_761, %broadcast_in_dim3A_762 : vector<128x1xi1>, vector<128x1xf32>
        %lt3A_764 = vector.broadcast %sub3A_668 : i32 to vector<128x1xi32>
        %lt3A_765 = arith.cmpi slt, %lt3A_764, %broadcast_in_dim3A : vector<128x1xi32>
        %jit3A_766 = arith.constant 1.000000e+00 : f32
        %jit3A_767 = arith.constant 0.000000e+00 : f32
        %broadcast_in_dim3A_768 = vector.broadcast %jit3A_766 : f32 to vector<128x1xf32>
        %broadcast_in_dim3A_769 = vector.broadcast %jit3A_767 : f32 to vector<128x1xf32>
        %select_n3A_770 = arith.select %lt3A_765, %broadcast_in_dim3A_768, %broadcast_in_dim3A_769 : vector<128x1xi1>, vector<128x1xf32>
        %mul3A_771 = vector.broadcast %select_n3A_763 : vector<128x1xf32> to vector<128x256xf32>
        %mul3A_772 = arith.mulf %mul3A_728, %mul3A_771 : vector<128x256xf32>
        %add3A_773 = arith.addf %add3A_656, %mul3A_772 : vector<128x256xf32>
        %mul3A_774 = vector.broadcast %select_n3A_770 : vector<128x1xf32> to vector<128x256xf32>
        %mul3A_775 = arith.mulf %mul3A_756, %mul3A_774 : vector<128x256xf32>
        %add3A_776 = arith.addf %add3A_659, %mul3A_775 : vector<128x256xf32>
        %mul3A_777 = arith.constant 4 : i32
        %mul3A_778 = arith.muli %mul3A_777, %scan3A_420 : i32
        %add3A_779 = arith.constant 3 : i32
        %add3A_780 = arith.addi %mul3A_778, %add3A_779 : i32
        %mul3A_781 = arith.constant 20 : i32
        %mul3A_782 = arith.muli %scan3A_375, %mul3A_781 : i32
        %add3A_783 = arith.addi %mul3A_782, %add3A_780 : i32
        %sub3A_784 = arith.constant 99 : i32
        %sub3A_785 = arith.subi %sub3A_784, %add3A_783 : i32
        %get3A_786 = arith.index_cast %rem3A_382 : i32 to index
        %get3A_787 = arith.index_cast %add3A_780 : i32 to index
        %get3A_788 = arith.constant 0 : index
        %get3A_789 = arith.constant 0 : index
        %get3A_790 = vector.load %arg30[%get3A_786, %get3A_787, %get3A_788, %get3A_789] : memref<4x20x128x256xf32, #tpu.memory_space<vmem>>, vector<1x1x128x256xf32>
        %get3A_791 = vector.shape_cast %get3A_790 : vector<1x1x128x256xf32> to vector<128x256xf32>
        %convert_element_type3A_792 = arith.truncf %get3A_791 : vector<128x256xf32> to vector<128x256xbf16>
        %sub3A_793 = arith.constant 19 : i32
        %sub3A_794 = arith.subi %sub3A_793, %add3A_780 : i32
        %get3A_795 = arith.index_cast %add3A_384 : i32 to index
        %get3A_796 = arith.index_cast %sub3A_794 : i32 to index
        %get3A_797 = arith.constant 0 : index
        %get3A_798 = arith.constant 0 : index
        %get3A_799 = vector.load %arg30[%get3A_795, %get3A_796, %get3A_797, %get3A_798] : memref<4x20x128x256xf32, #tpu.memory_space<vmem>>, vector<1x1x128x256xf32>
        %get3A_800 = vector.shape_cast %get3A_799 : vector<1x1x128x256xf32> to vector<128x256xf32>
        %convert_element_type3A_801 = arith.truncf %get3A_800 : vector<128x256xf32> to vector<128x256xbf16>
        %dot_general3A_802 = arith.constant dense<0.000000e+00> : vector<128x1024xf32>
        %dot_general3A_803 = tpu.matmul %convert_element_type3A_792, %get3A_13, %dot_general3A_802 {dimension_numbers = #tpu.dot_dimension_numbers<[1], [0], [0], [1], [0, 0, 1, 1], [], []>, transpose_lhs_hint = false} : vector<128x256xbf16>, vector<256x1024xbf16>, vector<128x1024xf32> -> vector<128x1024xf32>
        %convert_element_type3A_804 = arith.truncf %mul3A_728 : vector<128x256xf32> to vector<128x256xbf16>
        %dot_general3A_805 = arith.constant dense<0.000000e+00> : vector<128x1024xf32>
        %dot_general3A_806 = tpu.matmul %convert_element_type3A_804, %get3A_16, %dot_general3A_805 {dimension_numbers = #tpu.dot_dimension_numbers<[1], [0], [0], [1], [0, 0, 1, 1], [], []>, transpose_lhs_hint = false} : vector<128x256xbf16>, vector<256x1024xbf16>, vector<128x1024xf32> -> vector<128x1024xf32>
        %add3A_807 = arith.addf %dot_general3A_803, %dot_general3A_806 : vector<128x1024xf32>
        %add3A_808 = vector.broadcast %get3A_25 : vector<1x1024xf32> to vector<128x1024xf32>
        %add3A_809 = arith.addf %add3A_807, %add3A_808 : vector<128x1024xf32>
        %dot_general3A_810 = arith.constant dense<0.000000e+00> : vector<128x1024xf32>
        %dot_general3A_811 = tpu.matmul %convert_element_type3A_801, %get3A_19, %dot_general3A_810 {dimension_numbers = #tpu.dot_dimension_numbers<[1], [0], [0], [1], [0, 0, 1, 1], [], []>, transpose_lhs_hint = false} : vector<128x256xbf16>, vector<256x1024xbf16>, vector<128x1024xf32> -> vector<128x1024xf32>
        %convert_element_type3A_812 = arith.truncf %mul3A_756 : vector<128x256xf32> to vector<128x256xbf16>
        %dot_general3A_813 = arith.constant dense<0.000000e+00> : vector<128x1024xf32>
        %dot_general3A_814 = tpu.matmul %convert_element_type3A_812, %get3A_22, %dot_general3A_813 {dimension_numbers = #tpu.dot_dimension_numbers<[1], [0], [0], [1], [0, 0, 1, 1], [], []>, transpose_lhs_hint = false} : vector<128x256xbf16>, vector<256x1024xbf16>, vector<128x1024xf32> -> vector<128x1024xf32>
        %add3A_815 = arith.addf %dot_general3A_811, %dot_general3A_814 : vector<128x1024xf32>
        %add3A_816 = vector.broadcast %get3A_28 : vector<1x1024xf32> to vector<128x1024xf32>
        %add3A_817 = arith.addf %add3A_815, %add3A_816 : vector<128x1024xf32>
        %slice3A_818 = vector.extract_strided_slice %add3A_809 {offsets = [0, 0], sizes = [128, 256], strides = [1, 1]} : vector<128x1024xf32> to vector<128x256xf32>
        %slice3A_819 = vector.extract_strided_slice %add3A_809 {offsets = [0, 256], sizes = [128, 256], strides = [1, 1]} : vector<128x1024xf32> to vector<128x256xf32>
        %slice3A_820 = vector.extract_strided_slice %add3A_809 {offsets = [0, 512], sizes = [128, 256], strides = [1, 1]} : vector<128x1024xf32> to vector<128x256xf32>
        %slice3A_821 = vector.extract_strided_slice %add3A_809 {offsets = [0, 768], sizes = [128, 256], strides = [1, 1]} : vector<128x1024xf32> to vector<128x256xf32>
        %logistic3A_822 = arith.negf %slice3A_819 : vector<128x256xf32>
        %logistic3A_823 = math.exp %logistic3A_822 : vector<128x256xf32>
        %logistic3A_824 = arith.constant 1.000000e+00 : f32
        %logistic3A_825 = vector.broadcast %logistic3A_824 : f32 to vector<128x256xf32>
        %logistic3A_826 = arith.addf %logistic3A_825, %logistic3A_823 : vector<128x256xf32>
        %logistic3A_827 = arith.divf %logistic3A_825, %logistic3A_826 : vector<128x256xf32>
        %mul3A_828 = arith.mulf %logistic3A_827, %add3A_720 : vector<128x256xf32>
        %logistic3A_829 = arith.negf %slice3A_818 : vector<128x256xf32>
        %logistic3A_830 = math.exp %logistic3A_829 : vector<128x256xf32>
        %logistic3A_831 = arith.constant 1.000000e+00 : f32
        %logistic3A_832 = vector.broadcast %logistic3A_831 : f32 to vector<128x256xf32>
        %logistic3A_833 = arith.addf %logistic3A_832, %logistic3A_830 : vector<128x256xf32>
        %logistic3A_834 = arith.divf %logistic3A_832, %logistic3A_833 : vector<128x256xf32>
        %tanh3A_835 = math.tanh %slice3A_820 : vector<128x256xf32>
        %mul3A_836 = arith.mulf %logistic3A_834, %tanh3A_835 : vector<128x256xf32>
        %add3A_837 = arith.addf %mul3A_828, %mul3A_836 : vector<128x256xf32>
        %logistic3A_838 = arith.negf %slice3A_821 : vector<128x256xf32>
        %logistic3A_839 = math.exp %logistic3A_838 : vector<128x256xf32>
        %logistic3A_840 = arith.constant 1.000000e+00 : f32
        %logistic3A_841 = vector.broadcast %logistic3A_840 : f32 to vector<128x256xf32>
        %logistic3A_842 = arith.addf %logistic3A_841, %logistic3A_839 : vector<128x256xf32>
        %logistic3A_843 = arith.divf %logistic3A_841, %logistic3A_842 : vector<128x256xf32>
        %tanh3A_844 = math.tanh %add3A_837 : vector<128x256xf32>
        %mul3A_845 = arith.mulf %logistic3A_843, %tanh3A_844 : vector<128x256xf32>
        %slice3A_846 = vector.extract_strided_slice %add3A_817 {offsets = [0, 0], sizes = [128, 256], strides = [1, 1]} : vector<128x1024xf32> to vector<128x256xf32>
        %slice3A_847 = vector.extract_strided_slice %add3A_817 {offsets = [0, 256], sizes = [128, 256], strides = [1, 1]} : vector<128x1024xf32> to vector<128x256xf32>
        %slice3A_848 = vector.extract_strided_slice %add3A_817 {offsets = [0, 512], sizes = [128, 256], strides = [1, 1]} : vector<128x1024xf32> to vector<128x256xf32>
        %slice3A_849 = vector.extract_strided_slice %add3A_817 {offsets = [0, 768], sizes = [128, 256], strides = [1, 1]} : vector<128x1024xf32> to vector<128x256xf32>
        %logistic3A_850 = arith.negf %slice3A_847 : vector<128x256xf32>
        %logistic3A_851 = math.exp %logistic3A_850 : vector<128x256xf32>
        %logistic3A_852 = arith.constant 1.000000e+00 : f32
        %logistic3A_853 = vector.broadcast %logistic3A_852 : f32 to vector<128x256xf32>
        %logistic3A_854 = arith.addf %logistic3A_853, %logistic3A_851 : vector<128x256xf32>
        %logistic3A_855 = arith.divf %logistic3A_853, %logistic3A_854 : vector<128x256xf32>
        %mul3A_856 = arith.mulf %logistic3A_855, %add3A_748 : vector<128x256xf32>
        %logistic3A_857 = arith.negf %slice3A_846 : vector<128x256xf32>
        %logistic3A_858 = math.exp %logistic3A_857 : vector<128x256xf32>
        %logistic3A_859 = arith.constant 1.000000e+00 : f32
        %logistic3A_860 = vector.broadcast %logistic3A_859 : f32 to vector<128x256xf32>
        %logistic3A_861 = arith.addf %logistic3A_860, %logistic3A_858 : vector<128x256xf32>
        %logistic3A_862 = arith.divf %logistic3A_860, %logistic3A_861 : vector<128x256xf32>
        %tanh3A_863 = math.tanh %slice3A_848 : vector<128x256xf32>
        %mul3A_864 = arith.mulf %logistic3A_862, %tanh3A_863 : vector<128x256xf32>
        %add3A_865 = arith.addf %mul3A_856, %mul3A_864 : vector<128x256xf32>
        %logistic3A_866 = arith.negf %slice3A_849 : vector<128x256xf32>
        %logistic3A_867 = math.exp %logistic3A_866 : vector<128x256xf32>
        %logistic3A_868 = arith.constant 1.000000e+00 : f32
        %logistic3A_869 = vector.broadcast %logistic3A_868 : f32 to vector<128x256xf32>
        %logistic3A_870 = arith.addf %logistic3A_869, %logistic3A_867 : vector<128x256xf32>
        %logistic3A_871 = arith.divf %logistic3A_869, %logistic3A_870 : vector<128x256xf32>
        %tanh3A_872 = math.tanh %add3A_865 : vector<128x256xf32>
        %mul3A_873 = arith.mulf %logistic3A_871, %tanh3A_872 : vector<128x256xf32>
        %lt3A_874 = vector.broadcast %add3A_783 : i32 to vector<128x1xi32>
        %lt3A_875 = arith.cmpi slt, %lt3A_874, %broadcast_in_dim3A : vector<128x1xi32>
        %jit3A_876 = arith.constant 1.000000e+00 : f32
        %jit3A_877 = arith.constant 0.000000e+00 : f32
        %broadcast_in_dim3A_878 = vector.broadcast %jit3A_876 : f32 to vector<128x1xf32>
        %broadcast_in_dim3A_879 = vector.broadcast %jit3A_877 : f32 to vector<128x1xf32>
        %select_n3A_880 = arith.select %lt3A_875, %broadcast_in_dim3A_878, %broadcast_in_dim3A_879 : vector<128x1xi1>, vector<128x1xf32>
        %lt3A_881 = vector.broadcast %sub3A_785 : i32 to vector<128x1xi32>
        %lt3A_882 = arith.cmpi slt, %lt3A_881, %broadcast_in_dim3A : vector<128x1xi32>
        %jit3A_883 = arith.constant 1.000000e+00 : f32
        %jit3A_884 = arith.constant 0.000000e+00 : f32
        %broadcast_in_dim3A_885 = vector.broadcast %jit3A_883 : f32 to vector<128x1xf32>
        %broadcast_in_dim3A_886 = vector.broadcast %jit3A_884 : f32 to vector<128x1xf32>
        %select_n3A_887 = arith.select %lt3A_882, %broadcast_in_dim3A_885, %broadcast_in_dim3A_886 : vector<128x1xi1>, vector<128x1xf32>
        %mul3A_888 = vector.broadcast %select_n3A_880 : vector<128x1xf32> to vector<128x256xf32>
        %mul3A_889 = arith.mulf %mul3A_845, %mul3A_888 : vector<128x256xf32>
        %add3A_890 = arith.addf %add3A_773, %mul3A_889 : vector<128x256xf32>
        %mul3A_891 = vector.broadcast %select_n3A_887 : vector<128x1xf32> to vector<128x256xf32>
        %mul3A_892 = arith.mulf %mul3A_873, %mul3A_891 : vector<128x256xf32>
        %add3A_893 = arith.addf %add3A_776, %mul3A_892 : vector<128x256xf32>
        scf.yield %mul3A_845, %add3A_837, %add3A_890, %mul3A_873, %add3A_865, %add3A_893 : vector<128x256xf32>, vector<128x256xf32>, vector<128x256xf32>, vector<128x256xf32>, vector<128x256xf32>, vector<128x256xf32>
      }
      %scan3A_413 = arith.constant 5 : i32
      %add3A_414 = arith.constant 2 : i32
      %add3A_415 = arith.addi %scan3A_375, %add3A_414 : i32
      %lt3A_416 = arith.constant 5 : i32
      %lt3A_417 = arith.cmpi slt, %add3A_415, %lt3A_416 : i32
      %convert_element_type3A_418 = arith.extui %lt3A_417 : i1 to i32
      %cond3A = arith.constant 0 : i32
      %cond3A_419 = arith.cmpi ne, %convert_element_type3A_418, %cond3A : i32
      scf.if %cond3A_419 {
        %add3A_420 = arith.constant 2 : i32
        %add3A_421 = arith.addi %scan3A_375, %add3A_420 : i32
        %mul3A_422 = arith.constant 20 : i32
        %mul3A_423 = arith.muli %add3A_421, %mul3A_422 : i32
        %dma_start3A_424 = tpu.memref_slice %arg31[%rem3A_382] : memref<4x!tpu.dma_semaphore, #tpu.memory_space<semaphore_mem>> -> memref<1x!tpu.dma_semaphore, #tpu.memory_space<semaphore_mem>>
        %dma_start3A_425 = tpu.memref_squeeze %dma_start3A_424 : memref<1x!tpu.dma_semaphore, #tpu.memory_space<semaphore_mem>> -> memref<!tpu.dma_semaphore, #tpu.memory_space<semaphore_mem>>
        %dma_start3A_426 = arith.constant 0 : i32
        %dma_start3A_427 = arith.constant 0 : i32
        %dma_start3A_428 = arith.constant 0 : i32
        %dma_start3A_429 = tpu.memref_slice %arg30[%rem3A_382, %dma_start3A_426, %dma_start3A_427, %dma_start3A_428] : memref<4x20x128x256xf32, #tpu.memory_space<vmem>> -> memref<1x20x128x256xf32, #tpu.memory_space<vmem>>
        %dma_start3A_430 = tpu.memref_squeeze %dma_start3A_429 : memref<1x20x128x256xf32, #tpu.memory_space<vmem>> -> memref<20x128x256xf32, #tpu.memory_space<vmem>>
        %dma_start3A_431 = arith.constant 0 : i32
        %dma_start3A_432 = arith.constant 0 : i32
        %dma_start3A_433 = tpu.memref_slice %arg0[%mul3A_423, %dma_start3A_431, %dma_start3A_432] : memref<100x128x256xf32, #tpu.memory_space<hbm>> -> memref<20x128x256xf32, #tpu.memory_space<hbm>>
        tpu.enqueue_dma source(%dma_start3A_433 : memref<20x128x256xf32, #tpu.memory_space<hbm>>) target(%dma_start3A_430 : memref<20x128x256xf32, #tpu.memory_space<vmem>>) target_semaphore(%dma_start3A_425 : memref<!tpu.dma_semaphore, #tpu.memory_space<semaphore_mem>>)
        %sub3A_434 = arith.constant 2 : i32
        %sub3A_435 = arith.subi %sub3A_434, %scan3A_375 : i32
        %mul3A_436 = arith.constant 20 : i32
        %mul3A_437 = arith.muli %sub3A_435, %mul3A_436 : i32
        %dma_start3A_438 = tpu.memref_slice %arg31[%add3A_384] : memref<4x!tpu.dma_semaphore, #tpu.memory_space<semaphore_mem>> -> memref<1x!tpu.dma_semaphore, #tpu.memory_space<semaphore_mem>>
        %dma_start3A_439 = tpu.memref_squeeze %dma_start3A_438 : memref<1x!tpu.dma_semaphore, #tpu.memory_space<semaphore_mem>> -> memref<!tpu.dma_semaphore, #tpu.memory_space<semaphore_mem>>
        %dma_start3A_440 = arith.constant 0 : i32
        %dma_start3A_441 = arith.constant 0 : i32
        %dma_start3A_442 = arith.constant 0 : i32
        %dma_start3A_443 = tpu.memref_slice %arg30[%add3A_384, %dma_start3A_440, %dma_start3A_441, %dma_start3A_442] : memref<4x20x128x256xf32, #tpu.memory_space<vmem>> -> memref<1x20x128x256xf32, #tpu.memory_space<vmem>>
        %dma_start3A_444 = tpu.memref_squeeze %dma_start3A_443 : memref<1x20x128x256xf32, #tpu.memory_space<vmem>> -> memref<20x128x256xf32, #tpu.memory_space<vmem>>
        %dma_start3A_445 = arith.constant 0 : i32
        %dma_start3A_446 = arith.constant 0 : i32
        %dma_start3A_447 = tpu.memref_slice %arg0[%mul3A_437, %dma_start3A_445, %dma_start3A_446] : memref<100x128x256xf32, #tpu.memory_space<hbm>> -> memref<20x128x256xf32, #tpu.memory_space<hbm>>
        tpu.enqueue_dma source(%dma_start3A_447 : memref<20x128x256xf32, #tpu.memory_space<hbm>>) target(%dma_start3A_444 : memref<20x128x256xf32, #tpu.memory_space<vmem>>) target_semaphore(%dma_start3A_439 : memref<!tpu.dma_semaphore, #tpu.memory_space<semaphore_mem>>)
      } else {
      }
      scf.yield %scan3A_412#0, %scan3A_412#1, %scan3A_412#2, %scan3A_412#3, %scan3A_412#4, %scan3A_412#5 : vector<128x256xf32>, vector<128x256xf32>, vector<128x256xf32>, vector<128x256xf32>, vector<128x256xf32>, vector<128x256xf32>
    }
    %scan3A_86 = arith.constant 5 : i32
    %convert_element_type3A = arith.sitofp %broadcast_in_dim3A : vector<128x1xi32> to vector<128x1xf32>
    %max3A = arith.constant 1.000000e+00 : f32
    %max3A_87 = vector.broadcast %max3A : f32 to vector<128x1xf32>
    %max3A_88 = arith.maximumf %convert_element_type3A, %max3A_87 : vector<128x1xf32>
    %div3A = vector.broadcast %max3A_88 : vector<128x1xf32> to vector<128x256xf32>
    %div3A_89 = arith.divf %scan3A_85#2, %div3A : vector<128x256xf32>
    %div3A_90 = vector.broadcast %max3A_88 : vector<128x1xf32> to vector<128x256xf32>
    %div3A_91 = arith.divf %scan3A_85#5, %div3A_90 : vector<128x256xf32>
    %concatenate3A = tpu.concatenate %div3A_89, %div3A_91 in 1 : vector<128x256xf32>, vector<128x256xf32> -> vector<128x512xf32>
    %convert_element_type3A_92 = arith.truncf %concatenate3A : vector<128x512xf32> to vector<128x512xbf16>
    %get3A_93 = arith.constant 0 : index
    %get3A_94 = arith.constant 0 : index
    %get3A_95 = vector.load %arg8[%get3A_93, %get3A_94] : memref<512x1024xbf16, #tpu.memory_space<vmem>>, vector<512x1024xbf16>
    %dot_general3A = arith.constant dense<0.000000e+00> : vector<128x1024xf32>
    %dot_general3A_96 = tpu.matmul %convert_element_type3A_92, %get3A_95, %dot_general3A {dimension_numbers = #tpu.dot_dimension_numbers<[1], [0], [0], [1], [0, 0, 1, 1], [], []>, transpose_lhs_hint = false} : vector<128x512xbf16>, vector<512x1024xbf16>, vector<128x1024xf32> -> vector<128x1024xf32>
    %get3A_97 = arith.constant 0 : index
    %get3A_98 = arith.constant 0 : index
    %get3A_99 = vector.load %arg10[%get3A_97, %get3A_98] : memref<1x1024xf32, #tpu.memory_space<vmem>>, vector<1x1024xf32>
    %add3A = vector.broadcast %get3A_99 : vector<1x1024xf32> to vector<128x1024xf32>
    %add3A_100 = arith.addf %dot_general3A_96, %add3A : vector<128x1024xf32>
    %swap3A = arith.constant 0 : index
    %swap3A_101 = arith.constant 0 : index
    %swap3A_102 = vector.load %arg32[%swap3A, %swap3A_101] : memref<128x1024xf32, #tpu.memory_space<vmem>>, vector<128x1024xf32>
    tpu.vector_store %arg32[%swap3A, %swap3A_101], %add3A_100 {strides = array<i32>} : memref<128x1024xf32, #tpu.memory_space<vmem>>, vector<128x1024xf32>,
    %get3A_103 = arith.constant 0 : index
    %get3A_104 = arith.constant 0 : index
    %get3A_105 = vector.load %arg11[%get3A_103, %get3A_104] : memref<512x1024xbf16, #tpu.memory_space<vmem>>, vector<512x1024xbf16>
    %dot_general3A_106 = arith.constant dense<0.000000e+00> : vector<128x1024xf32>
    %dot_general3A_107 = tpu.matmul %convert_element_type3A_92, %get3A_105, %dot_general3A_106 {dimension_numbers = #tpu.dot_dimension_numbers<[1], [0], [0], [1], [0, 0, 1, 1], [], []>, transpose_lhs_hint = false} : vector<128x512xbf16>, vector<512x1024xbf16>, vector<128x1024xf32> -> vector<128x1024xf32>
    %get3A_108 = arith.constant 0 : index
    %get3A_109 = arith.constant 0 : index
    %get3A_110 = vector.load %arg13[%get3A_108, %get3A_109] : memref<1x1024xf32, #tpu.memory_space<vmem>>, vector<1x1024xf32>
    %add3A_111 = vector.broadcast %get3A_110 : vector<1x1024xf32> to vector<128x1024xf32>
    %add3A_112 = arith.addf %dot_general3A_107, %add3A_111 : vector<128x1024xf32>
    %swap3A_113 = arith.constant 0 : index
    %swap3A_114 = arith.constant 0 : index
    %swap3A_115 = vector.load %arg33[%swap3A_113, %swap3A_114] : memref<128x1024xf32, #tpu.memory_space<vmem>>, vector<128x1024xf32>
    tpu.vector_store %arg33[%swap3A_113, %swap3A_114], %add3A_112 {strides = array<i32>} : memref<128x1024xf32, #tpu.memory_space<vmem>>, vector<128x1024xf32>,
    %get3A_116 = arith.constant 0 : index
    %get3A_117 = arith.constant 0 : index
    %get3A_118 = vector.load %arg9[%get3A_116, %get3A_117] : memref<256x1024xbf16, #tpu.memory_space<vmem>>, vector<256x1024xbf16>
    %get3A_119 = arith.constant 0 : index
    %get3A_120 = arith.constant 0 : index
    %get3A_121 = vector.load %arg12[%get3A_119, %get3A_120] : memref<256x1024xbf16, #tpu.memory_space<vmem>>, vector<256x1024xbf16>
    %broadcast_in_dim3A_122 = arith.constant 0.000000e+00 : f32
    %broadcast_in_dim3A_123 = vector.broadcast %broadcast_in_dim3A_122 : f32 to vector<1x256xf32>
    %scan3A_124 = arith.constant 0 : i32
    %scan3A_125 = arith.constant 32 : i32
    %scan3A_126 = arith.addi %scan3A_124, %scan3A_125 : i32
    %scan3A_127 = arith.constant 1 : i32
    %scan3A_128:4 = scf.for %scan3A_375 = %scan3A_124 to %scan3A_126 step %scan3A_127 iter_args(%scan3A_376 = %broadcast_in_dim3A_123, %scan3A_377 = %broadcast_in_dim3A_123, %scan3A_378 = %broadcast_in_dim3A_123, %scan3A_379 = %broadcast_in_dim3A_123) -> (vector<1x256xf32>, vector<1x256xf32>, vector<1x256xf32>, vector<1x256xf32>)  : i32 {
      %mul3A = arith.constant 4 : i32
      %mul3A_380 = arith.muli %mul3A, %scan3A_375 : i32
      %add3A_381 = arith.constant 0 : i32
      %add3A_382 = arith.addi %mul3A_380, %add3A_381 : i32
      %sub3A = arith.constant 127 : i32
      %sub3A_383 = arith.subi %sub3A, %add3A_382 : i32
      %get3A_384 = arith.index_cast %add3A_382 : i32 to index
      %get3A_385 = arith.constant 0 : index
      %get3A_386 = vector.load %arg32[%get3A_384, %get3A_385] : memref<128x1024xf32, #tpu.memory_space<vmem>>, vector<1x1024xf32>
      %convert_element_type3A_387 = arith.truncf %scan3A_376 : vector<1x256xf32> to vector<1x256xbf16>
      %dot_general3A_388 = arith.constant dense<0.000000e+00> : vector<1x1024xf32>
      %dot_general3A_389 = tpu.matmul %convert_element_type3A_387, %get3A_118, %dot_general3A_388 {dimension_numbers = #tpu.dot_dimension_numbers<[1], [0], [0], [1], [0, 0, 1, 1], [], []>, transpose_lhs_hint = false} : vector<1x256xbf16>, vector<256x1024xbf16>, vector<1x1024xf32> -> vector<1x1024xf32>
      %add3A_390 = arith.addf %get3A_386, %dot_general3A_389 : vector<1x1024xf32>
      %get3A_391 = arith.index_cast %sub3A_383 : i32 to index
      %get3A_392 = arith.constant 0 : index
      %get3A_393 = vector.load %arg33[%get3A_391, %get3A_392] : memref<128x1024xf32, #tpu.memory_space<vmem>>, vector<1x1024xf32>
      %convert_element_type3A_394 = arith.truncf %scan3A_378 : vector<1x256xf32> to vector<1x256xbf16>
      %dot_general3A_395 = arith.constant dense<0.000000e+00> : vector<1x1024xf32>
      %dot_general3A_396 = tpu.matmul %convert_element_type3A_394, %get3A_121, %dot_general3A_395 {dimension_numbers = #tpu.dot_dimension_numbers<[1], [0], [0], [1], [0, 0, 1, 1], [], []>, transpose_lhs_hint = false} : vector<1x256xbf16>, vector<256x1024xbf16>, vector<1x1024xf32> -> vector<1x1024xf32>
      %add3A_397 = arith.addf %get3A_393, %dot_general3A_396 : vector<1x1024xf32>
      %slice3A = vector.extract_strided_slice %add3A_390 {offsets = [0, 0], sizes = [1, 256], strides = [1, 1]} : vector<1x1024xf32> to vector<1x256xf32>
      %slice3A_398 = vector.extract_strided_slice %add3A_390 {offsets = [0, 256], sizes = [1, 256], strides = [1, 1]} : vector<1x1024xf32> to vector<1x256xf32>
      %slice3A_399 = vector.extract_strided_slice %add3A_390 {offsets = [0, 512], sizes = [1, 256], strides = [1, 1]} : vector<1x1024xf32> to vector<1x256xf32>
      %slice3A_400 = vector.extract_strided_slice %add3A_390 {offsets = [0, 768], sizes = [1, 256], strides = [1, 1]} : vector<1x1024xf32> to vector<1x256xf32>
      %logistic3A_401 = arith.negf %slice3A_398 : vector<1x256xf32>
      %logistic3A_402 = math.exp %logistic3A_401 : vector<1x256xf32>
      %logistic3A_403 = arith.constant 1.000000e+00 : f32
      %logistic3A_404 = vector.broadcast %logistic3A_403 : f32 to vector<1x256xf32>
      %logistic3A_405 = arith.addf %logistic3A_404, %logistic3A_402 : vector<1x256xf32>
      %logistic3A_406 = arith.divf %logistic3A_404, %logistic3A_405 : vector<1x256xf32>
      %mul3A_407 = arith.mulf %logistic3A_406, %scan3A_377 : vector<1x256xf32>
      %logistic3A_408 = arith.negf %slice3A : vector<1x256xf32>
      %logistic3A_409 = math.exp %logistic3A_408 : vector<1x256xf32>
      %logistic3A_410 = arith.constant 1.000000e+00 : f32
      %logistic3A_411 = vector.broadcast %logistic3A_410 : f32 to vector<1x256xf32>
      %logistic3A_412 = arith.addf %logistic3A_411, %logistic3A_409 : vector<1x256xf32>
      %logistic3A_413 = arith.divf %logistic3A_411, %logistic3A_412 : vector<1x256xf32>
      %tanh3A_414 = math.tanh %slice3A_399 : vector<1x256xf32>
      %mul3A_415 = arith.mulf %logistic3A_413, %tanh3A_414 : vector<1x256xf32>
      %add3A_416 = arith.addf %mul3A_407, %mul3A_415 : vector<1x256xf32>
      %logistic3A_417 = arith.negf %slice3A_400 : vector<1x256xf32>
      %logistic3A_418 = math.exp %logistic3A_417 : vector<1x256xf32>
      %logistic3A_419 = arith.constant 1.000000e+00 : f32
      %logistic3A_420 = vector.broadcast %logistic3A_419 : f32 to vector<1x256xf32>
      %logistic3A_421 = arith.addf %logistic3A_420, %logistic3A_418 : vector<1x256xf32>
      %logistic3A_422 = arith.divf %logistic3A_420, %logistic3A_421 : vector<1x256xf32>
      %tanh3A_423 = math.tanh %add3A_416 : vector<1x256xf32>
      %mul3A_424 = arith.mulf %logistic3A_422, %tanh3A_423 : vector<1x256xf32>
      %slice3A_425 = vector.extract_strided_slice %add3A_397 {offsets = [0, 0], sizes = [1, 256], strides = [1, 1]} : vector<1x1024xf32> to vector<1x256xf32>
      %slice3A_426 = vector.extract_strided_slice %add3A_397 {offsets = [0, 256], sizes = [1, 256], strides = [1, 1]} : vector<1x1024xf32> to vector<1x256xf32>
      %slice3A_427 = vector.extract_strided_slice %add3A_397 {offsets = [0, 512], sizes = [1, 256], strides = [1, 1]} : vector<1x1024xf32> to vector<1x256xf32>
      %slice3A_428 = vector.extract_strided_slice %add3A_397 {offsets = [0, 768], sizes = [1, 256], strides = [1, 1]} : vector<1x1024xf32> to vector<1x256xf32>
      %logistic3A_429 = arith.negf %slice3A_426 : vector<1x256xf32>
      %logistic3A_430 = math.exp %logistic3A_429 : vector<1x256xf32>
      %logistic3A_431 = arith.constant 1.000000e+00 : f32
      %logistic3A_432 = vector.broadcast %logistic3A_431 : f32 to vector<1x256xf32>
      %logistic3A_433 = arith.addf %logistic3A_432, %logistic3A_430 : vector<1x256xf32>
      %logistic3A_434 = arith.divf %logistic3A_432, %logistic3A_433 : vector<1x256xf32>
      %mul3A_435 = arith.mulf %logistic3A_434, %scan3A_379 : vector<1x256xf32>
      %logistic3A_436 = arith.negf %slice3A_425 : vector<1x256xf32>
      %logistic3A_437 = math.exp %logistic3A_436 : vector<1x256xf32>
      %logistic3A_438 = arith.constant 1.000000e+00 : f32
      %logistic3A_439 = vector.broadcast %logistic3A_438 : f32 to vector<1x256xf32>
      %logistic3A_440 = arith.addf %logistic3A_439, %logistic3A_437 : vector<1x256xf32>
      %logistic3A_441 = arith.divf %logistic3A_439, %logistic3A_440 : vector<1x256xf32>
      %tanh3A_442 = math.tanh %slice3A_427 : vector<1x256xf32>
      %mul3A_443 = arith.mulf %logistic3A_441, %tanh3A_442 : vector<1x256xf32>
      %add3A_444 = arith.addf %mul3A_435, %mul3A_443 : vector<1x256xf32>
      %logistic3A_445 = arith.negf %slice3A_428 : vector<1x256xf32>
      %logistic3A_446 = math.exp %logistic3A_445 : vector<1x256xf32>
      %logistic3A_447 = arith.constant 1.000000e+00 : f32
      %logistic3A_448 = vector.broadcast %logistic3A_447 : f32 to vector<1x256xf32>
      %logistic3A_449 = arith.addf %logistic3A_448, %logistic3A_446 : vector<1x256xf32>
      %logistic3A_450 = arith.divf %logistic3A_448, %logistic3A_449 : vector<1x256xf32>
      %tanh3A_451 = math.tanh %add3A_444 : vector<1x256xf32>
      %mul3A_452 = arith.mulf %logistic3A_450, %tanh3A_451 : vector<1x256xf32>
      %swap3A_453 = arith.index_cast %add3A_382 : i32 to index
      %swap3A_454 = arith.constant 0 : index
      %swap3A_455 = vector.load %arg34[%swap3A_453, %swap3A_454] : memref<128x256xf32, #tpu.memory_space<vmem>>, vector<1x256xf32>
      tpu.vector_store %arg34[%swap3A_453, %swap3A_454], %mul3A_424 {strides = array<i32>} : memref<128x256xf32, #tpu.memory_space<vmem>>, vector<1x256xf32>,
      %swap3A_456 = arith.index_cast %sub3A_383 : i32 to index
      %swap3A_457 = arith.constant 0 : index
      %swap3A_458 = vector.load %arg35[%swap3A_456, %swap3A_457] : memref<128x256xf32, #tpu.memory_space<vmem>>, vector<1x256xf32>
      tpu.vector_store %arg35[%swap3A_456, %swap3A_457], %mul3A_452 {strides = array<i32>} : memref<128x256xf32, #tpu.memory_space<vmem>>, vector<1x256xf32>,
      %mul3A_459 = arith.constant 4 : i32
      %mul3A_460 = arith.muli %mul3A_459, %scan3A_375 : i32
      %add3A_461 = arith.constant 1 : i32
      %add3A_462 = arith.addi %mul3A_460, %add3A_461 : i32
      %sub3A_463 = arith.constant 127 : i32
      %sub3A_464 = arith.subi %sub3A_463, %add3A_462 : i32
      %get3A_465 = arith.index_cast %add3A_462 : i32 to index
      %get3A_466 = arith.constant 0 : index
      %get3A_467 = vector.load %arg32[%get3A_465, %get3A_466] : memref<128x1024xf32, #tpu.memory_space<vmem>>, vector<1x1024xf32>
      %convert_element_type3A_468 = arith.truncf %mul3A_424 : vector<1x256xf32> to vector<1x256xbf16>
      %dot_general3A_469 = arith.constant dense<0.000000e+00> : vector<1x1024xf32>
      %dot_general3A_470 = tpu.matmul %convert_element_type3A_468, %get3A_118, %dot_general3A_469 {dimension_numbers = #tpu.dot_dimension_numbers<[1], [0], [0], [1], [0, 0, 1, 1], [], []>, transpose_lhs_hint = false} : vector<1x256xbf16>, vector<256x1024xbf16>, vector<1x1024xf32> -> vector<1x1024xf32>
      %add3A_471 = arith.addf %get3A_467, %dot_general3A_470 : vector<1x1024xf32>
      %get3A_472 = arith.index_cast %sub3A_464 : i32 to index
      %get3A_473 = arith.constant 0 : index
      %get3A_474 = vector.load %arg33[%get3A_472, %get3A_473] : memref<128x1024xf32, #tpu.memory_space<vmem>>, vector<1x1024xf32>
      %convert_element_type3A_475 = arith.truncf %mul3A_452 : vector<1x256xf32> to vector<1x256xbf16>
      %dot_general3A_476 = arith.constant dense<0.000000e+00> : vector<1x1024xf32>
      %dot_general3A_477 = tpu.matmul %convert_element_type3A_475, %get3A_121, %dot_general3A_476 {dimension_numbers = #tpu.dot_dimension_numbers<[1], [0], [0], [1], [0, 0, 1, 1], [], []>, transpose_lhs_hint = false} : vector<1x256xbf16>, vector<256x1024xbf16>, vector<1x1024xf32> -> vector<1x1024xf32>
      %add3A_478 = arith.addf %get3A_474, %dot_general3A_477 : vector<1x1024xf32>
      %slice3A_479 = vector.extract_strided_slice %add3A_471 {offsets = [0, 0], sizes = [1, 256], strides = [1, 1]} : vector<1x1024xf32> to vector<1x256xf32>
      %slice3A_480 = vector.extract_strided_slice %add3A_471 {offsets = [0, 256], sizes = [1, 256], strides = [1, 1]} : vector<1x1024xf32> to vector<1x256xf32>
      %slice3A_481 = vector.extract_strided_slice %add3A_471 {offsets = [0, 512], sizes = [1, 256], strides = [1, 1]} : vector<1x1024xf32> to vector<1x256xf32>
      %slice3A_482 = vector.extract_strided_slice %add3A_471 {offsets = [0, 768], sizes = [1, 256], strides = [1, 1]} : vector<1x1024xf32> to vector<1x256xf32>
      %logistic3A_483 = arith.negf %slice3A_480 : vector<1x256xf32>
      %logistic3A_484 = math.exp %logistic3A_483 : vector<1x256xf32>
      %logistic3A_485 = arith.constant 1.000000e+00 : f32
      %logistic3A_486 = vector.broadcast %logistic3A_485 : f32 to vector<1x256xf32>
      %logistic3A_487 = arith.addf %logistic3A_486, %logistic3A_484 : vector<1x256xf32>
      %logistic3A_488 = arith.divf %logistic3A_486, %logistic3A_487 : vector<1x256xf32>
      %mul3A_489 = arith.mulf %logistic3A_488, %add3A_416 : vector<1x256xf32>
      %logistic3A_490 = arith.negf %slice3A_479 : vector<1x256xf32>
      %logistic3A_491 = math.exp %logistic3A_490 : vector<1x256xf32>
      %logistic3A_492 = arith.constant 1.000000e+00 : f32
      %logistic3A_493 = vector.broadcast %logistic3A_492 : f32 to vector<1x256xf32>
      %logistic3A_494 = arith.addf %logistic3A_493, %logistic3A_491 : vector<1x256xf32>
      %logistic3A_495 = arith.divf %logistic3A_493, %logistic3A_494 : vector<1x256xf32>
      %tanh3A_496 = math.tanh %slice3A_481 : vector<1x256xf32>
      %mul3A_497 = arith.mulf %logistic3A_495, %tanh3A_496 : vector<1x256xf32>
      %add3A_498 = arith.addf %mul3A_489, %mul3A_497 : vector<1x256xf32>
      %logistic3A_499 = arith.negf %slice3A_482 : vector<1x256xf32>
      %logistic3A_500 = math.exp %logistic3A_499 : vector<1x256xf32>
      %logistic3A_501 = arith.constant 1.000000e+00 : f32
      %logistic3A_502 = vector.broadcast %logistic3A_501 : f32 to vector<1x256xf32>
      %logistic3A_503 = arith.addf %logistic3A_502, %logistic3A_500 : vector<1x256xf32>
      %logistic3A_504 = arith.divf %logistic3A_502, %logistic3A_503 : vector<1x256xf32>
      %tanh3A_505 = math.tanh %add3A_498 : vector<1x256xf32>
      %mul3A_506 = arith.mulf %logistic3A_504, %tanh3A_505 : vector<1x256xf32>
      %slice3A_507 = vector.extract_strided_slice %add3A_478 {offsets = [0, 0], sizes = [1, 256], strides = [1, 1]} : vector<1x1024xf32> to vector<1x256xf32>
      %slice3A_508 = vector.extract_strided_slice %add3A_478 {offsets = [0, 256], sizes = [1, 256], strides = [1, 1]} : vector<1x1024xf32> to vector<1x256xf32>
      %slice3A_509 = vector.extract_strided_slice %add3A_478 {offsets = [0, 512], sizes = [1, 256], strides = [1, 1]} : vector<1x1024xf32> to vector<1x256xf32>
      %slice3A_510 = vector.extract_strided_slice %add3A_478 {offsets = [0, 768], sizes = [1, 256], strides = [1, 1]} : vector<1x1024xf32> to vector<1x256xf32>
      %logistic3A_511 = arith.negf %slice3A_508 : vector<1x256xf32>
      %logistic3A_512 = math.exp %logistic3A_511 : vector<1x256xf32>
      %logistic3A_513 = arith.constant 1.000000e+00 : f32
      %logistic3A_514 = vector.broadcast %logistic3A_513 : f32 to vector<1x256xf32>
      %logistic3A_515 = arith.addf %logistic3A_514, %logistic3A_512 : vector<1x256xf32>
      %logistic3A_516 = arith.divf %logistic3A_514, %logistic3A_515 : vector<1x256xf32>
      %mul3A_517 = arith.mulf %logistic3A_516, %add3A_444 : vector<1x256xf32>
      %logistic3A_518 = arith.negf %slice3A_507 : vector<1x256xf32>
      %logistic3A_519 = math.exp %logistic3A_518 : vector<1x256xf32>
      %logistic3A_520 = arith.constant 1.000000e+00 : f32
      %logistic3A_521 = vector.broadcast %logistic3A_520 : f32 to vector<1x256xf32>
      %logistic3A_522 = arith.addf %logistic3A_521, %logistic3A_519 : vector<1x256xf32>
      %logistic3A_523 = arith.divf %logistic3A_521, %logistic3A_522 : vector<1x256xf32>
      %tanh3A_524 = math.tanh %slice3A_509 : vector<1x256xf32>
      %mul3A_525 = arith.mulf %logistic3A_523, %tanh3A_524 : vector<1x256xf32>
      %add3A_526 = arith.addf %mul3A_517, %mul3A_525 : vector<1x256xf32>
      %logistic3A_527 = arith.negf %slice3A_510 : vector<1x256xf32>
      %logistic3A_528 = math.exp %logistic3A_527 : vector<1x256xf32>
      %logistic3A_529 = arith.constant 1.000000e+00 : f32
      %logistic3A_530 = vector.broadcast %logistic3A_529 : f32 to vector<1x256xf32>
      %logistic3A_531 = arith.addf %logistic3A_530, %logistic3A_528 : vector<1x256xf32>
      %logistic3A_532 = arith.divf %logistic3A_530, %logistic3A_531 : vector<1x256xf32>
      %tanh3A_533 = math.tanh %add3A_526 : vector<1x256xf32>
      %mul3A_534 = arith.mulf %logistic3A_532, %tanh3A_533 : vector<1x256xf32>
      %swap3A_535 = arith.index_cast %add3A_462 : i32 to index
      %swap3A_536 = arith.constant 0 : index
      %swap3A_537 = vector.load %arg34[%swap3A_535, %swap3A_536] : memref<128x256xf32, #tpu.memory_space<vmem>>, vector<1x256xf32>
      tpu.vector_store %arg34[%swap3A_535, %swap3A_536], %mul3A_506 {strides = array<i32>} : memref<128x256xf32, #tpu.memory_space<vmem>>, vector<1x256xf32>,
      %swap3A_538 = arith.index_cast %sub3A_464 : i32 to index
      %swap3A_539 = arith.constant 0 : index
      %swap3A_540 = vector.load %arg35[%swap3A_538, %swap3A_539] : memref<128x256xf32, #tpu.memory_space<vmem>>, vector<1x256xf32>
      tpu.vector_store %arg35[%swap3A_538, %swap3A_539], %mul3A_534 {strides = array<i32>} : memref<128x256xf32, #tpu.memory_space<vmem>>, vector<1x256xf32>,
      %mul3A_541 = arith.constant 4 : i32
      %mul3A_542 = arith.muli %mul3A_541, %scan3A_375 : i32
      %add3A_543 = arith.constant 2 : i32
      %add3A_544 = arith.addi %mul3A_542, %add3A_543 : i32
      %sub3A_545 = arith.constant 127 : i32
      %sub3A_546 = arith.subi %sub3A_545, %add3A_544 : i32
      %get3A_547 = arith.index_cast %add3A_544 : i32 to index
      %get3A_548 = arith.constant 0 : index
      %get3A_549 = vector.load %arg32[%get3A_547, %get3A_548] : memref<128x1024xf32, #tpu.memory_space<vmem>>, vector<1x1024xf32>
      %convert_element_type3A_550 = arith.truncf %mul3A_506 : vector<1x256xf32> to vector<1x256xbf16>
      %dot_general3A_551 = arith.constant dense<0.000000e+00> : vector<1x1024xf32>
      %dot_general3A_552 = tpu.matmul %convert_element_type3A_550, %get3A_118, %dot_general3A_551 {dimension_numbers = #tpu.dot_dimension_numbers<[1], [0], [0], [1], [0, 0, 1, 1], [], []>, transpose_lhs_hint = false} : vector<1x256xbf16>, vector<256x1024xbf16>, vector<1x1024xf32> -> vector<1x1024xf32>
      %add3A_553 = arith.addf %get3A_549, %dot_general3A_552 : vector<1x1024xf32>
      %get3A_554 = arith.index_cast %sub3A_546 : i32 to index
      %get3A_555 = arith.constant 0 : index
      %get3A_556 = vector.load %arg33[%get3A_554, %get3A_555] : memref<128x1024xf32, #tpu.memory_space<vmem>>, vector<1x1024xf32>
      %convert_element_type3A_557 = arith.truncf %mul3A_534 : vector<1x256xf32> to vector<1x256xbf16>
      %dot_general3A_558 = arith.constant dense<0.000000e+00> : vector<1x1024xf32>
      %dot_general3A_559 = tpu.matmul %convert_element_type3A_557, %get3A_121, %dot_general3A_558 {dimension_numbers = #tpu.dot_dimension_numbers<[1], [0], [0], [1], [0, 0, 1, 1], [], []>, transpose_lhs_hint = false} : vector<1x256xbf16>, vector<256x1024xbf16>, vector<1x1024xf32> -> vector<1x1024xf32>
      %add3A_560 = arith.addf %get3A_556, %dot_general3A_559 : vector<1x1024xf32>
      %slice3A_561 = vector.extract_strided_slice %add3A_553 {offsets = [0, 0], sizes = [1, 256], strides = [1, 1]} : vector<1x1024xf32> to vector<1x256xf32>
      %slice3A_562 = vector.extract_strided_slice %add3A_553 {offsets = [0, 256], sizes = [1, 256], strides = [1, 1]} : vector<1x1024xf32> to vector<1x256xf32>
      %slice3A_563 = vector.extract_strided_slice %add3A_553 {offsets = [0, 512], sizes = [1, 256], strides = [1, 1]} : vector<1x1024xf32> to vector<1x256xf32>
      %slice3A_564 = vector.extract_strided_slice %add3A_553 {offsets = [0, 768], sizes = [1, 256], strides = [1, 1]} : vector<1x1024xf32> to vector<1x256xf32>
      %logistic3A_565 = arith.negf %slice3A_562 : vector<1x256xf32>
      %logistic3A_566 = math.exp %logistic3A_565 : vector<1x256xf32>
      %logistic3A_567 = arith.constant 1.000000e+00 : f32
      %logistic3A_568 = vector.broadcast %logistic3A_567 : f32 to vector<1x256xf32>
      %logistic3A_569 = arith.addf %logistic3A_568, %logistic3A_566 : vector<1x256xf32>
      %logistic3A_570 = arith.divf %logistic3A_568, %logistic3A_569 : vector<1x256xf32>
      %mul3A_571 = arith.mulf %logistic3A_570, %add3A_498 : vector<1x256xf32>
      %logistic3A_572 = arith.negf %slice3A_561 : vector<1x256xf32>
      %logistic3A_573 = math.exp %logistic3A_572 : vector<1x256xf32>
      %logistic3A_574 = arith.constant 1.000000e+00 : f32
      %logistic3A_575 = vector.broadcast %logistic3A_574 : f32 to vector<1x256xf32>
      %logistic3A_576 = arith.addf %logistic3A_575, %logistic3A_573 : vector<1x256xf32>
      %logistic3A_577 = arith.divf %logistic3A_575, %logistic3A_576 : vector<1x256xf32>
      %tanh3A_578 = math.tanh %slice3A_563 : vector<1x256xf32>
      %mul3A_579 = arith.mulf %logistic3A_577, %tanh3A_578 : vector<1x256xf32>
      %add3A_580 = arith.addf %mul3A_571, %mul3A_579 : vector<1x256xf32>
      %logistic3A_581 = arith.negf %slice3A_564 : vector<1x256xf32>
      %logistic3A_582 = math.exp %logistic3A_581 : vector<1x256xf32>
      %logistic3A_583 = arith.constant 1.000000e+00 : f32
      %logistic3A_584 = vector.broadcast %logistic3A_583 : f32 to vector<1x256xf32>
      %logistic3A_585 = arith.addf %logistic3A_584, %logistic3A_582 : vector<1x256xf32>
      %logistic3A_586 = arith.divf %logistic3A_584, %logistic3A_585 : vector<1x256xf32>
      %tanh3A_587 = math.tanh %add3A_580 : vector<1x256xf32>
      %mul3A_588 = arith.mulf %logistic3A_586, %tanh3A_587 : vector<1x256xf32>
      %slice3A_589 = vector.extract_strided_slice %add3A_560 {offsets = [0, 0], sizes = [1, 256], strides = [1, 1]} : vector<1x1024xf32> to vector<1x256xf32>
      %slice3A_590 = vector.extract_strided_slice %add3A_560 {offsets = [0, 256], sizes = [1, 256], strides = [1, 1]} : vector<1x1024xf32> to vector<1x256xf32>
      %slice3A_591 = vector.extract_strided_slice %add3A_560 {offsets = [0, 512], sizes = [1, 256], strides = [1, 1]} : vector<1x1024xf32> to vector<1x256xf32>
      %slice3A_592 = vector.extract_strided_slice %add3A_560 {offsets = [0, 768], sizes = [1, 256], strides = [1, 1]} : vector<1x1024xf32> to vector<1x256xf32>
      %logistic3A_593 = arith.negf %slice3A_590 : vector<1x256xf32>
      %logistic3A_594 = math.exp %logistic3A_593 : vector<1x256xf32>
      %logistic3A_595 = arith.constant 1.000000e+00 : f32
      %logistic3A_596 = vector.broadcast %logistic3A_595 : f32 to vector<1x256xf32>
      %logistic3A_597 = arith.addf %logistic3A_596, %logistic3A_594 : vector<1x256xf32>
      %logistic3A_598 = arith.divf %logistic3A_596, %logistic3A_597 : vector<1x256xf32>
      %mul3A_599 = arith.mulf %logistic3A_598, %add3A_526 : vector<1x256xf32>
      %logistic3A_600 = arith.negf %slice3A_589 : vector<1x256xf32>
      %logistic3A_601 = math.exp %logistic3A_600 : vector<1x256xf32>
      %logistic3A_602 = arith.constant 1.000000e+00 : f32
      %logistic3A_603 = vector.broadcast %logistic3A_602 : f32 to vector<1x256xf32>
      %logistic3A_604 = arith.addf %logistic3A_603, %logistic3A_601 : vector<1x256xf32>
      %logistic3A_605 = arith.divf %logistic3A_603, %logistic3A_604 : vector<1x256xf32>
      %tanh3A_606 = math.tanh %slice3A_591 : vector<1x256xf32>
      %mul3A_607 = arith.mulf %logistic3A_605, %tanh3A_606 : vector<1x256xf32>
      %add3A_608 = arith.addf %mul3A_599, %mul3A_607 : vector<1x256xf32>
      %logistic3A_609 = arith.negf %slice3A_592 : vector<1x256xf32>
      %logistic3A_610 = math.exp %logistic3A_609 : vector<1x256xf32>
      %logistic3A_611 = arith.constant 1.000000e+00 : f32
      %logistic3A_612 = vector.broadcast %logistic3A_611 : f32 to vector<1x256xf32>
      %logistic3A_613 = arith.addf %logistic3A_612, %logistic3A_610 : vector<1x256xf32>
      %logistic3A_614 = arith.divf %logistic3A_612, %logistic3A_613 : vector<1x256xf32>
      %tanh3A_615 = math.tanh %add3A_608 : vector<1x256xf32>
      %mul3A_616 = arith.mulf %logistic3A_614, %tanh3A_615 : vector<1x256xf32>
      %swap3A_617 = arith.index_cast %add3A_544 : i32 to index
      %swap3A_618 = arith.constant 0 : index
      %swap3A_619 = vector.load %arg34[%swap3A_617, %swap3A_618] : memref<128x256xf32, #tpu.memory_space<vmem>>, vector<1x256xf32>
      tpu.vector_store %arg34[%swap3A_617, %swap3A_618], %mul3A_588 {strides = array<i32>} : memref<128x256xf32, #tpu.memory_space<vmem>>, vector<1x256xf32>,
      %swap3A_620 = arith.index_cast %sub3A_546 : i32 to index
      %swap3A_621 = arith.constant 0 : index
      %swap3A_622 = vector.load %arg35[%swap3A_620, %swap3A_621] : memref<128x256xf32, #tpu.memory_space<vmem>>, vector<1x256xf32>
      tpu.vector_store %arg35[%swap3A_620, %swap3A_621], %mul3A_616 {strides = array<i32>} : memref<128x256xf32, #tpu.memory_space<vmem>>, vector<1x256xf32>,
      %mul3A_623 = arith.constant 4 : i32
      %mul3A_624 = arith.muli %mul3A_623, %scan3A_375 : i32
      %add3A_625 = arith.constant 3 : i32
      %add3A_626 = arith.addi %mul3A_624, %add3A_625 : i32
      %sub3A_627 = arith.constant 127 : i32
      %sub3A_628 = arith.subi %sub3A_627, %add3A_626 : i32
      %get3A_629 = arith.index_cast %add3A_626 : i32 to index
      %get3A_630 = arith.constant 0 : index
      %get3A_631 = vector.load %arg32[%get3A_629, %get3A_630] : memref<128x1024xf32, #tpu.memory_space<vmem>>, vector<1x1024xf32>
      %convert_element_type3A_632 = arith.truncf %mul3A_588 : vector<1x256xf32> to vector<1x256xbf16>
      %dot_general3A_633 = arith.constant dense<0.000000e+00> : vector<1x1024xf32>
      %dot_general3A_634 = tpu.matmul %convert_element_type3A_632, %get3A_118, %dot_general3A_633 {dimension_numbers = #tpu.dot_dimension_numbers<[1], [0], [0], [1], [0, 0, 1, 1], [], []>, transpose_lhs_hint = false} : vector<1x256xbf16>, vector<256x1024xbf16>, vector<1x1024xf32> -> vector<1x1024xf32>
      %add3A_635 = arith.addf %get3A_631, %dot_general3A_634 : vector<1x1024xf32>
      %get3A_636 = arith.index_cast %sub3A_628 : i32 to index
      %get3A_637 = arith.constant 0 : index
      %get3A_638 = vector.load %arg33[%get3A_636, %get3A_637] : memref<128x1024xf32, #tpu.memory_space<vmem>>, vector<1x1024xf32>
      %convert_element_type3A_639 = arith.truncf %mul3A_616 : vector<1x256xf32> to vector<1x256xbf16>
      %dot_general3A_640 = arith.constant dense<0.000000e+00> : vector<1x1024xf32>
      %dot_general3A_641 = tpu.matmul %convert_element_type3A_639, %get3A_121, %dot_general3A_640 {dimension_numbers = #tpu.dot_dimension_numbers<[1], [0], [0], [1], [0, 0, 1, 1], [], []>, transpose_lhs_hint = false} : vector<1x256xbf16>, vector<256x1024xbf16>, vector<1x1024xf32> -> vector<1x1024xf32>
      %add3A_642 = arith.addf %get3A_638, %dot_general3A_641 : vector<1x1024xf32>
      %slice3A_643 = vector.extract_strided_slice %add3A_635 {offsets = [0, 0], sizes = [1, 256], strides = [1, 1]} : vector<1x1024xf32> to vector<1x256xf32>
      %slice3A_644 = vector.extract_strided_slice %add3A_635 {offsets = [0, 256], sizes = [1, 256], strides = [1, 1]} : vector<1x1024xf32> to vector<1x256xf32>
      %slice3A_645 = vector.extract_strided_slice %add3A_635 {offsets = [0, 512], sizes = [1, 256], strides = [1, 1]} : vector<1x1024xf32> to vector<1x256xf32>
      %slice3A_646 = vector.extract_strided_slice %add3A_635 {offsets = [0, 768], sizes = [1, 256], strides = [1, 1]} : vector<1x1024xf32> to vector<1x256xf32>
      %logistic3A_647 = arith.negf %slice3A_644 : vector<1x256xf32>
      %logistic3A_648 = math.exp %logistic3A_647 : vector<1x256xf32>
      %logistic3A_649 = arith.constant 1.000000e+00 : f32
      %logistic3A_650 = vector.broadcast %logistic3A_649 : f32 to vector<1x256xf32>
      %logistic3A_651 = arith.addf %logistic3A_650, %logistic3A_648 : vector<1x256xf32>
      %logistic3A_652 = arith.divf %logistic3A_650, %logistic3A_651 : vector<1x256xf32>
      %mul3A_653 = arith.mulf %logistic3A_652, %add3A_580 : vector<1x256xf32>
      %logistic3A_654 = arith.negf %slice3A_643 : vector<1x256xf32>
      %logistic3A_655 = math.exp %logistic3A_654 : vector<1x256xf32>
      %logistic3A_656 = arith.constant 1.000000e+00 : f32
      %logistic3A_657 = vector.broadcast %logistic3A_656 : f32 to vector<1x256xf32>
      %logistic3A_658 = arith.addf %logistic3A_657, %logistic3A_655 : vector<1x256xf32>
      %logistic3A_659 = arith.divf %logistic3A_657, %logistic3A_658 : vector<1x256xf32>
      %tanh3A_660 = math.tanh %slice3A_645 : vector<1x256xf32>
      %mul3A_661 = arith.mulf %logistic3A_659, %tanh3A_660 : vector<1x256xf32>
      %add3A_662 = arith.addf %mul3A_653, %mul3A_661 : vector<1x256xf32>
      %logistic3A_663 = arith.negf %slice3A_646 : vector<1x256xf32>
      %logistic3A_664 = math.exp %logistic3A_663 : vector<1x256xf32>
      %logistic3A_665 = arith.constant 1.000000e+00 : f32
      %logistic3A_666 = vector.broadcast %logistic3A_665 : f32 to vector<1x256xf32>
      %logistic3A_667 = arith.addf %logistic3A_666, %logistic3A_664 : vector<1x256xf32>
      %logistic3A_668 = arith.divf %logistic3A_666, %logistic3A_667 : vector<1x256xf32>
      %tanh3A_669 = math.tanh %add3A_662 : vector<1x256xf32>
      %mul3A_670 = arith.mulf %logistic3A_668, %tanh3A_669 : vector<1x256xf32>
      %slice3A_671 = vector.extract_strided_slice %add3A_642 {offsets = [0, 0], sizes = [1, 256], strides = [1, 1]} : vector<1x1024xf32> to vector<1x256xf32>
      %slice3A_672 = vector.extract_strided_slice %add3A_642 {offsets = [0, 256], sizes = [1, 256], strides = [1, 1]} : vector<1x1024xf32> to vector<1x256xf32>
      %slice3A_673 = vector.extract_strided_slice %add3A_642 {offsets = [0, 512], sizes = [1, 256], strides = [1, 1]} : vector<1x1024xf32> to vector<1x256xf32>
      %slice3A_674 = vector.extract_strided_slice %add3A_642 {offsets = [0, 768], sizes = [1, 256], strides = [1, 1]} : vector<1x1024xf32> to vector<1x256xf32>
      %logistic3A_675 = arith.negf %slice3A_672 : vector<1x256xf32>
      %logistic3A_676 = math.exp %logistic3A_675 : vector<1x256xf32>
      %logistic3A_677 = arith.constant 1.000000e+00 : f32
      %logistic3A_678 = vector.broadcast %logistic3A_677 : f32 to vector<1x256xf32>
      %logistic3A_679 = arith.addf %logistic3A_678, %logistic3A_676 : vector<1x256xf32>
      %logistic3A_680 = arith.divf %logistic3A_678, %logistic3A_679 : vector<1x256xf32>
      %mul3A_681 = arith.mulf %logistic3A_680, %add3A_608 : vector<1x256xf32>
      %logistic3A_682 = arith.negf %slice3A_671 : vector<1x256xf32>
      %logistic3A_683 = math.exp %logistic3A_682 : vector<1x256xf32>
      %logistic3A_684 = arith.constant 1.000000e+00 : f32
      %logistic3A_685 = vector.broadcast %logistic3A_684 : f32 to vector<1x256xf32>
      %logistic3A_686 = arith.addf %logistic3A_685, %logistic3A_683 : vector<1x256xf32>
      %logistic3A_687 = arith.divf %logistic3A_685, %logistic3A_686 : vector<1x256xf32>
      %tanh3A_688 = math.tanh %slice3A_673 : vector<1x256xf32>
      %mul3A_689 = arith.mulf %logistic3A_687, %tanh3A_688 : vector<1x256xf32>
      %add3A_690 = arith.addf %mul3A_681, %mul3A_689 : vector<1x256xf32>
      %logistic3A_691 = arith.negf %slice3A_674 : vector<1x256xf32>
      %logistic3A_692 = math.exp %logistic3A_691 : vector<1x256xf32>
      %logistic3A_693 = arith.constant 1.000000e+00 : f32
      %logistic3A_694 = vector.broadcast %logistic3A_693 : f32 to vector<1x256xf32>
      %logistic3A_695 = arith.addf %logistic3A_694, %logistic3A_692 : vector<1x256xf32>
      %logistic3A_696 = arith.divf %logistic3A_694, %logistic3A_695 : vector<1x256xf32>
      %tanh3A_697 = math.tanh %add3A_690 : vector<1x256xf32>
      %mul3A_698 = arith.mulf %logistic3A_696, %tanh3A_697 : vector<1x256xf32>
      %swap3A_699 = arith.index_cast %add3A_626 : i32 to index
      %swap3A_700 = arith.constant 0 : index
      %swap3A_701 = vector.load %arg34[%swap3A_699, %swap3A_700] : memref<128x256xf32, #tpu.memory_space<vmem>>, vector<1x256xf32>
      tpu.vector_store %arg34[%swap3A_699, %swap3A_700], %mul3A_670 {strides = array<i32>} : memref<128x256xf32, #tpu.memory_space<vmem>>, vector<1x256xf32>,
      %swap3A_702 = arith.index_cast %sub3A_628 : i32 to index
      %swap3A_703 = arith.constant 0 : index
      %swap3A_704 = vector.load %arg35[%swap3A_702, %swap3A_703] : memref<128x256xf32, #tpu.memory_space<vmem>>, vector<1x256xf32>
      tpu.vector_store %arg35[%swap3A_702, %swap3A_703], %mul3A_698 {strides = array<i32>} : memref<128x256xf32, #tpu.memory_space<vmem>>, vector<1x256xf32>,
      scf.yield %mul3A_670, %add3A_662, %mul3A_698, %add3A_690 : vector<1x256xf32>, vector<1x256xf32>, vector<1x256xf32>, vector<1x256xf32>
    }
    %scan3A_129 = arith.constant 32 : i32
    %get3A_130 = arith.constant 0 : index
    %get3A_131 = arith.constant 0 : index
    %get3A_132 = vector.load %arg34[%get3A_130, %get3A_131] : memref<128x256xf32, #tpu.memory_space<vmem>>, vector<128x256xf32>
    %get3A_133 = arith.constant 0 : index
    %get3A_134 = arith.constant 0 : index
    %get3A_135 = vector.load %arg35[%get3A_133, %get3A_134] : memref<128x256xf32, #tpu.memory_space<vmem>>, vector<128x256xf32>
    %concatenate3A_136 = tpu.concatenate %get3A_132, %get3A_135 in 1 : vector<128x256xf32>, vector<128x256xf32> -> vector<128x512xf32>
    %reduce_sum3A_137 = arith.constant dense<0.000000e+00> : vector<512xf32>
    %reduce_sum3A_138 = vector.multi_reduction <add>, %concatenate3A_136, %reduce_sum3A_137 [0] : vector<128x512xf32> to vector<512xf32>
    %broadcast_in_dim3A_139 = vector.shape_cast %reduce_sum3A_138 : vector<512xf32> to vector<1x512xf32>
    %div3A_140 = arith.constant 1.280000e+02 : f32
    %div3A_141 = vector.broadcast %div3A_140 : f32 to vector<1x512xf32>
    %div3A_142 = arith.divf %broadcast_in_dim3A_139, %div3A_141 : vector<1x512xf32>
    %convert_element_type3A_143 = arith.truncf %concatenate3A_136 : vector<128x512xf32> to vector<128x512xbf16>
    %get3A_144 = arith.constant 0 : index
    %get3A_145 = arith.constant 0 : index
    %get3A_146 = vector.load %arg20[%get3A_144, %get3A_145] : memref<128x128xbf16, #tpu.memory_space<vmem>>, vector<128x128xbf16>
    %iota3A = tpu.iota {dimensions = array<i32: 0>} : vector<128x100xi32>
    %get3A_147 = arith.constant 0 : index
    %get3A_148 = arith.constant 0 : index
    %get3A_149 = vector.load %arg15[%get3A_147, %get3A_148] : memref<1x100xf32, #tpu.memory_space<vmem>>, vector<1x100xf32>
    %get3A_150 = arith.constant 2 : index
    %get3A_151 = arith.constant 0 : index
    %get3A_152 = arith.constant 0 : index
    %get3A_153 = vector.load %arg14[%get3A_150, %get3A_151, %get3A_152] : memref<3x512x100xbf16, #tpu.memory_space<vmem>>, vector<1x512x100xbf16>
    %get3A_154 = vector.shape_cast %get3A_153 : vector<1x512x100xbf16> to vector<512x100xbf16>
    %dot_general3A_155 = arith.constant dense<0.000000e+00> : vector<128x100xf32>
    %dot_general3A_156 = tpu.matmul %convert_element_type3A_143, %get3A_154, %dot_general3A_155 {dimension_numbers = #tpu.dot_dimension_numbers<[1], [0], [0], [1], [0, 0, 1, 1], [], []>, transpose_lhs_hint = false} : vector<128x512xbf16>, vector<512x100xbf16>, vector<128x100xf32> -> vector<128x100xf32>
    %get3A_157 = arith.constant 1 : index
    %get3A_158 = arith.constant 0 : index
    %get3A_159 = arith.constant 0 : index
    %get3A_160 = vector.load %arg14[%get3A_157, %get3A_158, %get3A_159] : memref<3x512x100xbf16, #tpu.memory_space<vmem>>, vector<1x512x100xbf16>
    %get3A_161 = vector.shape_cast %get3A_160 : vector<1x512x100xbf16> to vector<512x100xbf16>
    %dot_general3A_162 = arith.constant dense<0.000000e+00> : vector<128x100xf32>
    %dot_general3A_163 = tpu.matmul %convert_element_type3A_143, %get3A_161, %dot_general3A_162 {dimension_numbers = #tpu.dot_dimension_numbers<[1], [0], [0], [1], [0, 0, 1, 1], [], []>, transpose_lhs_hint = false} : vector<128x512xbf16>, vector<512x100xbf16>, vector<128x100xf32> -> vector<128x100xf32>
    %convert_element_type3A_164 = arith.truncf %dot_general3A_156 : vector<128x100xf32> to vector<128x100xbf16>
    %dot_general3A_165 = arith.constant dense<0.000000e+00> : vector<128x100xf32>
    %dot_general3A_166 = tpu.matmul %get3A_146, %convert_element_type3A_164, %dot_general3A_165 {dimension_numbers = #tpu.dot_dimension_numbers<[1], [0], [0], [1], [0, 0, 1, 1], [], []>, transpose_lhs_hint = false} : vector<128x128xbf16>, vector<128x100xbf16>, vector<128x100xf32> -> vector<128x100xf32>
    %add3A_167 = arith.addf %dot_general3A_163, %dot_general3A_166 : vector<128x100xf32>
    %get3A_168 = arith.constant 0 : index
    %get3A_169 = arith.constant 0 : index
    %get3A_170 = arith.constant 0 : index
    %get3A_171 = vector.load %arg14[%get3A_168, %get3A_169, %get3A_170] : memref<3x512x100xbf16, #tpu.memory_space<vmem>>, vector<1x512x100xbf16>
    %get3A_172 = vector.shape_cast %get3A_171 : vector<1x512x100xbf16> to vector<512x100xbf16>
    %dot_general3A_173 = arith.constant dense<0.000000e+00> : vector<128x100xf32>
    %dot_general3A_174 = tpu.matmul %convert_element_type3A_143, %get3A_172, %dot_general3A_173 {dimension_numbers = #tpu.dot_dimension_numbers<[1], [0], [0], [1], [0, 0, 1, 1], [], []>, transpose_lhs_hint = false} : vector<128x512xbf16>, vector<512x100xbf16>, vector<128x100xf32> -> vector<128x100xf32>
    %convert_element_type3A_175 = arith.truncf %add3A_167 : vector<128x100xf32> to vector<128x100xbf16>
    %dot_general3A_176 = arith.constant dense<0.000000e+00> : vector<128x100xf32>
    %dot_general3A_177 = tpu.matmul %get3A_146, %convert_element_type3A_175, %dot_general3A_176 {dimension_numbers = #tpu.dot_dimension_numbers<[1], [0], [0], [1], [0, 0, 1, 1], [], []>, transpose_lhs_hint = false} : vector<128x128xbf16>, vector<128x100xbf16>, vector<128x100xf32> -> vector<128x100xf32>
    %add3A_178 = arith.addf %dot_general3A_174, %dot_general3A_177 : vector<128x100xf32>
    %add3A_179 = vector.broadcast %get3A_149 : vector<1x100xf32> to vector<128x100xf32>
    %add3A_180 = arith.addf %add3A_178, %add3A_179 : vector<128x100xf32>
    %max3A_181 = arith.constant 0.000000e+00 : f32
    %max3A_182 = vector.broadcast %max3A_181 : f32 to vector<128x100xf32>
    %max3A_183 = arith.maximumf %add3A_180, %max3A_182 : vector<128x100xf32>
    %lt3A = arith.constant 126 : i32
    %lt3A_184 = vector.broadcast %lt3A : i32 to vector<128x100xi32>
    %lt3A_185 = arith.cmpi slt, %iota3A, %lt3A_184 : vector<128x100xi32>
    %jit3A = arith.constant 0.000000e+00 : f32
    %broadcast_in_dim3A_186 = vector.broadcast %jit3A : f32 to vector<128x100xf32>
    %select_n3A = arith.select %lt3A_185, %max3A_183, %broadcast_in_dim3A_186 : vector<128x100xi1>, vector<128x100xf32>
    %reduce_max3A = arith.constant dense<0xFF800000> : vector<100xf32>
    %reduce_max3A_187 = vector.multi_reduction <maximumf>, %select_n3A, %reduce_max3A [0] : vector<128x100xf32> to vector<100xf32>
    %broadcast_in_dim3A_188 = vector.shape_cast %reduce_max3A_187 : vector<100xf32> to vector<1x100xf32>
    %get3A_189 = arith.constant 0 : index
    %get3A_190 = arith.constant 0 : index
    %get3A_191 = vector.load %arg17[%get3A_189, %get3A_190] : memref<1x100xf32, #tpu.memory_space<vmem>>, vector<1x100xf32>
    %get3A_192 = arith.constant 3 : index
    %get3A_193 = arith.constant 0 : index
    %get3A_194 = arith.constant 0 : index
    %get3A_195 = vector.load %arg16[%get3A_192, %get3A_193, %get3A_194] : memref<4x512x100xbf16, #tpu.memory_space<vmem>>, vector<1x512x100xbf16>
    %get3A_196 = vector.shape_cast %get3A_195 : vector<1x512x100xbf16> to vector<512x100xbf16>
    %dot_general3A_197 = arith.constant dense<0.000000e+00> : vector<128x100xf32>
    %dot_general3A_198 = tpu.matmul %convert_element_type3A_143, %get3A_196, %dot_general3A_197 {dimension_numbers = #tpu.dot_dimension_numbers<[1], [0], [0], [1], [0, 0, 1, 1], [], []>, transpose_lhs_hint = false} : vector<128x512xbf16>, vector<512x100xbf16>, vector<128x100xf32> -> vector<128x100xf32>
    %get3A_199 = arith.constant 2 : index
    %get3A_200 = arith.constant 0 : index
    %get3A_201 = arith.constant 0 : index
    %get3A_202 = vector.load %arg16[%get3A_199, %get3A_200, %get3A_201] : memref<4x512x100xbf16, #tpu.memory_space<vmem>>, vector<1x512x100xbf16>
    %get3A_203 = vector.shape_cast %get3A_202 : vector<1x512x100xbf16> to vector<512x100xbf16>
    %dot_general3A_204 = arith.constant dense<0.000000e+00> : vector<128x100xf32>
    %dot_general3A_205 = tpu.matmul %convert_element_type3A_143, %get3A_203, %dot_general3A_204 {dimension_numbers = #tpu.dot_dimension_numbers<[1], [0], [0], [1], [0, 0, 1, 1], [], []>, transpose_lhs_hint = false} : vector<128x512xbf16>, vector<512x100xbf16>, vector<128x100xf32> -> vector<128x100xf32>
    %convert_element_type3A_206 = arith.truncf %dot_general3A_198 : vector<128x100xf32> to vector<128x100xbf16>
    %dot_general3A_207 = arith.constant dense<0.000000e+00> : vector<128x100xf32>
    %dot_general3A_208 = tpu.matmul %get3A_146, %convert_element_type3A_206, %dot_general3A_207 {dimension_numbers = #tpu.dot_dimension_numbers<[1], [0], [0], [1], [0, 0, 1, 1], [], []>, transpose_lhs_hint = false} : vector<128x128xbf16>, vector<128x100xbf16>, vector<128x100xf32> -> vector<128x100xf32>
    %add3A_209 = arith.addf %dot_general3A_205, %dot_general3A_208 : vector<128x100xf32>
    %get3A_210 = arith.constant 1 : index
    %get3A_211 = arith.constant 0 : index
    %get3A_212 = arith.constant 0 : index
    %get3A_213 = vector.load %arg16[%get3A_210, %get3A_211, %get3A_212] : memref<4x512x100xbf16, #tpu.memory_space<vmem>>, vector<1x512x100xbf16>
    %get3A_214 = vector.shape_cast %get3A_213 : vector<1x512x100xbf16> to vector<512x100xbf16>
    %dot_general3A_215 = arith.constant dense<0.000000e+00> : vector<128x100xf32>
    %dot_general3A_216 = tpu.matmul %convert_element_type3A_143, %get3A_214, %dot_general3A_215 {dimension_numbers = #tpu.dot_dimension_numbers<[1], [0], [0], [1], [0, 0, 1, 1], [], []>, transpose_lhs_hint = false} : vector<128x512xbf16>, vector<512x100xbf16>, vector<128x100xf32> -> vector<128x100xf32>
    %convert_element_type3A_217 = arith.truncf %add3A_209 : vector<128x100xf32> to vector<128x100xbf16>
    %dot_general3A_218 = arith.constant dense<0.000000e+00> : vector<128x100xf32>
    %dot_general3A_219 = tpu.matmul %get3A_146, %convert_element_type3A_217, %dot_general3A_218 {dimension_numbers = #tpu.dot_dimension_numbers<[1], [0], [0], [1], [0, 0, 1, 1], [], []>, transpose_lhs_hint = false} : vector<128x128xbf16>, vector<128x100xbf16>, vector<128x100xf32> -> vector<128x100xf32>
    %add3A_220 = arith.addf %dot_general3A_216, %dot_general3A_219 : vector<128x100xf32>
    %get3A_221 = arith.constant 0 : index
    %get3A_222 = arith.constant 0 : index
    %get3A_223 = arith.constant 0 : index
    %get3A_224 = vector.load %arg16[%get3A_221, %get3A_222, %get3A_223] : memref<4x512x100xbf16, #tpu.memory_space<vmem>>, vector<1x512x100xbf16>
    %get3A_225 = vector.shape_cast %get3A_224 : vector<1x512x100xbf16> to vector<512x100xbf16>
    %dot_general3A_226 = arith.constant dense<0.000000e+00> : vector<128x100xf32>
    %dot_general3A_227 = tpu.matmul %convert_element_type3A_143, %get3A_225, %dot_general3A_226 {dimension_numbers = #tpu.dot_dimension_numbers<[1], [0], [0], [1], [0, 0, 1, 1], [], []>, transpose_lhs_hint = false} : vector<128x512xbf16>, vector<512x100xbf16>, vector<128x100xf32> -> vector<128x100xf32>
    %convert_element_type3A_228 = arith.truncf %add3A_220 : vector<128x100xf32> to vector<128x100xbf16>
    %dot_general3A_229 = arith.constant dense<0.000000e+00> : vector<128x100xf32>
    %dot_general3A_230 = tpu.matmul %get3A_146, %convert_element_type3A_228, %dot_general3A_229 {dimension_numbers = #tpu.dot_dimension_numbers<[1], [0], [0], [1], [0, 0, 1, 1], [], []>, transpose_lhs_hint = false} : vector<128x128xbf16>, vector<128x100xbf16>, vector<128x100xf32> -> vector<128x100xf32>
    %add3A_231 = arith.addf %dot_general3A_227, %dot_general3A_230 : vector<128x100xf32>
    %add3A_232 = vector.broadcast %get3A_191 : vector<1x100xf32> to vector<128x100xf32>
    %add3A_233 = arith.addf %add3A_231, %add3A_232 : vector<128x100xf32>
    %max3A_234 = arith.constant 0.000000e+00 : f32
    %max3A_235 = vector.broadcast %max3A_234 : f32 to vector<128x100xf32>
    %max3A_236 = arith.maximumf %add3A_233, %max3A_235 : vector<128x100xf32>
    %lt3A_237 = arith.constant 125 : i32
    %lt3A_238 = vector.broadcast %lt3A_237 : i32 to vector<128x100xi32>
    %lt3A_239 = arith.cmpi slt, %iota3A, %lt3A_238 : vector<128x100xi32>
    %jit3A_240 = arith.constant 0.000000e+00 : f32
    %broadcast_in_dim3A_241 = vector.broadcast %jit3A_240 : f32 to vector<128x100xf32>
    %select_n3A_242 = arith.select %lt3A_239, %max3A_236, %broadcast_in_dim3A_241 : vector<128x100xi1>, vector<128x100xf32>
    %reduce_max3A_243 = arith.constant dense<0xFF800000> : vector<100xf32>
    %reduce_max3A_244 = vector.multi_reduction <maximumf>, %select_n3A_242, %reduce_max3A_243 [0] : vector<128x100xf32> to vector<100xf32>
    %broadcast_in_dim3A_245 = vector.shape_cast %reduce_max3A_244 : vector<100xf32> to vector<1x100xf32>
    %get3A_246 = arith.constant 0 : index
    %get3A_247 = arith.constant 0 : index
    %get3A_248 = vector.load %arg19[%get3A_246, %get3A_247] : memref<1x100xf32, #tpu.memory_space<vmem>>, vector<1x100xf32>
    %get3A_249 = arith.constant 4 : index
    %get3A_250 = arith.constant 0 : index
    %get3A_251 = arith.constant 0 : index
    %get3A_252 = vector.load %arg18[%get3A_249, %get3A_250, %get3A_251] : memref<5x512x100xbf16, #tpu.memory_space<vmem>>, vector<1x512x100xbf16>
    %get3A_253 = vector.shape_cast %get3A_252 : vector<1x512x100xbf16> to vector<512x100xbf16>
    %dot_general3A_254 = arith.constant dense<0.000000e+00> : vector<128x100xf32>
    %dot_general3A_255 = tpu.matmul %convert_element_type3A_143, %get3A_253, %dot_general3A_254 {dimension_numbers = #tpu.dot_dimension_numbers<[1], [0], [0], [1], [0, 0, 1, 1], [], []>, transpose_lhs_hint = false} : vector<128x512xbf16>, vector<512x100xbf16>, vector<128x100xf32> -> vector<128x100xf32>
    %get3A_256 = arith.constant 3 : index
    %get3A_257 = arith.constant 0 : index
    %get3A_258 = arith.constant 0 : index
    %get3A_259 = vector.load %arg18[%get3A_256, %get3A_257, %get3A_258] : memref<5x512x100xbf16, #tpu.memory_space<vmem>>, vector<1x512x100xbf16>
    %get3A_260 = vector.shape_cast %get3A_259 : vector<1x512x100xbf16> to vector<512x100xbf16>
    %dot_general3A_261 = arith.constant dense<0.000000e+00> : vector<128x100xf32>
    %dot_general3A_262 = tpu.matmul %convert_element_type3A_143, %get3A_260, %dot_general3A_261 {dimension_numbers = #tpu.dot_dimension_numbers<[1], [0], [0], [1], [0, 0, 1, 1], [], []>, transpose_lhs_hint = false} : vector<128x512xbf16>, vector<512x100xbf16>, vector<128x100xf32> -> vector<128x100xf32>
    %convert_element_type3A_263 = arith.truncf %dot_general3A_255 : vector<128x100xf32> to vector<128x100xbf16>
    %dot_general3A_264 = arith.constant dense<0.000000e+00> : vector<128x100xf32>
    %dot_general3A_265 = tpu.matmul %get3A_146, %convert_element_type3A_263, %dot_general3A_264 {dimension_numbers = #tpu.dot_dimension_numbers<[1], [0], [0], [1], [0, 0, 1, 1], [], []>, transpose_lhs_hint = false} : vector<128x128xbf16>, vector<128x100xbf16>, vector<128x100xf32> -> vector<128x100xf32>
    %add3A_266 = arith.addf %dot_general3A_262, %dot_general3A_265 : vector<128x100xf32>
    %get3A_267 = arith.constant 2 : index
    %get3A_268 = arith.constant 0 : index
    %get3A_269 = arith.constant 0 : index
    %get3A_270 = vector.load %arg18[%get3A_267, %get3A_268, %get3A_269] : memref<5x512x100xbf16, #tpu.memory_space<vmem>>, vector<1x512x100xbf16>
    %get3A_271 = vector.shape_cast %get3A_270 : vector<1x512x100xbf16> to vector<512x100xbf16>
    %dot_general3A_272 = arith.constant dense<0.000000e+00> : vector<128x100xf32>
    %dot_general3A_273 = tpu.matmul %convert_element_type3A_143, %get3A_271, %dot_general3A_272 {dimension_numbers = #tpu.dot_dimension_numbers<[1], [0], [0], [1], [0, 0, 1, 1], [], []>, transpose_lhs_hint = false} : vector<128x512xbf16>, vector<512x100xbf16>, vector<128x100xf32> -> vector<128x100xf32>
    %convert_element_type3A_274 = arith.truncf %add3A_266 : vector<128x100xf32> to vector<128x100xbf16>
    %dot_general3A_275 = arith.constant dense<0.000000e+00> : vector<128x100xf32>
    %dot_general3A_276 = tpu.matmul %get3A_146, %convert_element_type3A_274, %dot_general3A_275 {dimension_numbers = #tpu.dot_dimension_numbers<[1], [0], [0], [1], [0, 0, 1, 1], [], []>, transpose_lhs_hint = false} : vector<128x128xbf16>, vector<128x100xbf16>, vector<128x100xf32> -> vector<128x100xf32>
    %add3A_277 = arith.addf %dot_general3A_273, %dot_general3A_276 : vector<128x100xf32>
    %get3A_278 = arith.constant 1 : index
    %get3A_279 = arith.constant 0 : index
    %get3A_280 = arith.constant 0 : index
    %get3A_281 = vector.load %arg18[%get3A_278, %get3A_279, %get3A_280] : memref<5x512x100xbf16, #tpu.memory_space<vmem>>, vector<1x512x100xbf16>
    %get3A_282 = vector.shape_cast %get3A_281 : vector<1x512x100xbf16> to vector<512x100xbf16>
    %dot_general3A_283 = arith.constant dense<0.000000e+00> : vector<128x100xf32>
    %dot_general3A_284 = tpu.matmul %convert_element_type3A_143, %get3A_282, %dot_general3A_283 {dimension_numbers = #tpu.dot_dimension_numbers<[1], [0], [0], [1], [0, 0, 1, 1], [], []>, transpose_lhs_hint = false} : vector<128x512xbf16>, vector<512x100xbf16>, vector<128x100xf32> -> vector<128x100xf32>
    %convert_element_type3A_285 = arith.truncf %add3A_277 : vector<128x100xf32> to vector<128x100xbf16>
    %dot_general3A_286 = arith.constant dense<0.000000e+00> : vector<128x100xf32>
    %dot_general3A_287 = tpu.matmul %get3A_146, %convert_element_type3A_285, %dot_general3A_286 {dimension_numbers = #tpu.dot_dimension_numbers<[1], [0], [0], [1], [0, 0, 1, 1], [], []>, transpose_lhs_hint = false} : vector<128x128xbf16>, vector<128x100xbf16>, vector<128x100xf32> -> vector<128x100xf32>
    %add3A_288 = arith.addf %dot_general3A_284, %dot_general3A_287 : vector<128x100xf32>
    %get3A_289 = arith.constant 0 : index
    %get3A_290 = arith.constant 0 : index
    %get3A_291 = arith.constant 0 : index
    %get3A_292 = vector.load %arg18[%get3A_289, %get3A_290, %get3A_291] : memref<5x512x100xbf16, #tpu.memory_space<vmem>>, vector<1x512x100xbf16>
    %get3A_293 = vector.shape_cast %get3A_292 : vector<1x512x100xbf16> to vector<512x100xbf16>
    %dot_general3A_294 = arith.constant dense<0.000000e+00> : vector<128x100xf32>
    %dot_general3A_295 = tpu.matmul %convert_element_type3A_143, %get3A_293, %dot_general3A_294 {dimension_numbers = #tpu.dot_dimension_numbers<[1], [0], [0], [1], [0, 0, 1, 1], [], []>, transpose_lhs_hint = false} : vector<128x512xbf16>, vector<512x100xbf16>, vector<128x100xf32> -> vector<128x100xf32>
    %convert_element_type3A_296 = arith.truncf %add3A_288 : vector<128x100xf32> to vector<128x100xbf16>
    %dot_general3A_297 = arith.constant dense<0.000000e+00> : vector<128x100xf32>
    %dot_general3A_298 = tpu.matmul %get3A_146, %convert_element_type3A_296, %dot_general3A_297 {dimension_numbers = #tpu.dot_dimension_numbers<[1], [0], [0], [1], [0, 0, 1, 1], [], []>, transpose_lhs_hint = false} : vector<128x128xbf16>, vector<128x100xbf16>, vector<128x100xf32> -> vector<128x100xf32>
    %add3A_299 = arith.addf %dot_general3A_295, %dot_general3A_298 : vector<128x100xf32>
    %add3A_300 = vector.broadcast %get3A_248 : vector<1x100xf32> to vector<128x100xf32>
    %add3A_301 = arith.addf %add3A_299, %add3A_300 : vector<128x100xf32>
    %max3A_302 = arith.constant 0.000000e+00 : f32
    %max3A_303 = vector.broadcast %max3A_302 : f32 to vector<128x100xf32>
    %max3A_304 = arith.maximumf %add3A_301, %max3A_303 : vector<128x100xf32>
    %lt3A_305 = arith.constant 124 : i32
    %lt3A_306 = vector.broadcast %lt3A_305 : i32 to vector<128x100xi32>
    %lt3A_307 = arith.cmpi slt, %iota3A, %lt3A_306 : vector<128x100xi32>
    %jit3A_308 = arith.constant 0.000000e+00 : f32
    %broadcast_in_dim3A_309 = vector.broadcast %jit3A_308 : f32 to vector<128x100xf32>
    %select_n3A_310 = arith.select %lt3A_307, %max3A_304, %broadcast_in_dim3A_309 : vector<128x100xi1>, vector<128x100xf32>
    %reduce_max3A_311 = arith.constant dense<0xFF800000> : vector<100xf32>
    %reduce_max3A_312 = vector.multi_reduction <maximumf>, %select_n3A_310, %reduce_max3A_311 [0] : vector<128x100xf32> to vector<100xf32>
    %broadcast_in_dim3A_313 = vector.shape_cast %reduce_max3A_312 : vector<100xf32> to vector<1x100xf32>
    %get3A_314 = arith.constant 0 : index
    %get3A_315 = arith.constant 0 : index
    %get3A_316 = vector.load %arg21[%get3A_314, %get3A_315] : memref<512x200xbf16, #tpu.memory_space<vmem>>, vector<512x200xbf16>
    %dot_general3A_317 = arith.constant dense<0.000000e+00> : vector<128x200xf32>
    %dot_general3A_318 = tpu.matmul %convert_element_type3A_143, %get3A_316, %dot_general3A_317 {dimension_numbers = #tpu.dot_dimension_numbers<[1], [0], [0], [1], [0, 0, 1, 1], [], []>, transpose_lhs_hint = false} : vector<128x512xbf16>, vector<512x200xbf16>, vector<128x200xf32> -> vector<128x200xf32>
    %convert_element_type3A_319 = arith.truncf %div3A_142 : vector<1x512xf32> to vector<1x512xbf16>
    %get3A_320 = arith.constant 0 : index
    %get3A_321 = arith.constant 0 : index
    %get3A_322 = vector.load %arg22[%get3A_320, %get3A_321] : memref<512x200xbf16, #tpu.memory_space<vmem>>, vector<512x200xbf16>
    %dot_general3A_323 = arith.constant dense<0.000000e+00> : vector<1x200xf32>
    %dot_general3A_324 = tpu.matmul %convert_element_type3A_319, %get3A_322, %dot_general3A_323 {dimension_numbers = #tpu.dot_dimension_numbers<[1], [0], [0], [1], [0, 0, 1, 1], [], []>, transpose_lhs_hint = false} : vector<1x512xbf16>, vector<512x200xbf16>, vector<1x200xf32> -> vector<1x200xf32>
    %add3A_325 = vector.broadcast %dot_general3A_324 : vector<1x200xf32> to vector<128x200xf32>
    %add3A_326 = arith.addf %dot_general3A_318, %add3A_325 : vector<128x200xf32>
    %convert_element_type3A_327 = arith.truncf %broadcast_in_dim3A_188 : vector<1x100xf32> to vector<1x100xbf16>
    %get3A_328 = arith.constant 0 : index
    %get3A_329 = arith.constant 0 : index
    %get3A_330 = vector.load %arg23[%get3A_328, %get3A_329] : memref<100x200xbf16, #tpu.memory_space<vmem>>, vector<100x200xbf16>
    %dot_general3A_331 = arith.constant dense<0.000000e+00> : vector<1x200xf32>
    %dot_general3A_332 = tpu.matmul %convert_element_type3A_327, %get3A_330, %dot_general3A_331 {dimension_numbers = #tpu.dot_dimension_numbers<[1], [0], [0], [1], [0, 0, 1, 1], [], []>, transpose_lhs_hint = false} : vector<1x100xbf16>, vector<100x200xbf16>, vector<1x200xf32> -> vector<1x200xf32>
    %add3A_333 = vector.broadcast %dot_general3A_332 : vector<1x200xf32> to vector<128x200xf32>
    %add3A_334 = arith.addf %add3A_326, %add3A_333 : vector<128x200xf32>
    %convert_element_type3A_335 = arith.truncf %broadcast_in_dim3A_245 : vector<1x100xf32> to vector<1x100xbf16>
    %get3A_336 = arith.constant 0 : index
    %get3A_337 = arith.constant 0 : index
    %get3A_338 = vector.load %arg24[%get3A_336, %get3A_337] : memref<100x200xbf16, #tpu.memory_space<vmem>>, vector<100x200xbf16>
    %dot_general3A_339 = arith.constant dense<0.000000e+00> : vector<1x200xf32>
    %dot_general3A_340 = tpu.matmul %convert_element_type3A_335, %get3A_338, %dot_general3A_339 {dimension_numbers = #tpu.dot_dimension_numbers<[1], [0], [0], [1], [0, 0, 1, 1], [], []>, transpose_lhs_hint = false} : vector<1x100xbf16>, vector<100x200xbf16>, vector<1x200xf32> -> vector<1x200xf32>
    %add3A_341 = vector.broadcast %dot_general3A_340 : vector<1x200xf32> to vector<128x200xf32>
    %add3A_342 = arith.addf %add3A_334, %add3A_341 : vector<128x200xf32>
    %convert_element_type3A_343 = arith.truncf %broadcast_in_dim3A_313 : vector<1x100xf32> to vector<1x100xbf16>
    %get3A_344 = arith.constant 0 : index
    %get3A_345 = arith.constant 0 : index
    %get3A_346 = vector.load %arg25[%get3A_344, %get3A_345] : memref<100x200xbf16, #tpu.memory_space<vmem>>, vector<100x200xbf16>
    %dot_general3A_347 = arith.constant dense<0.000000e+00> : vector<1x200xf32>
    %dot_general3A_348 = tpu.matmul %convert_element_type3A_343, %get3A_346, %dot_general3A_347 {dimension_numbers = #tpu.dot_dimension_numbers<[1], [0], [0], [1], [0, 0, 1, 1], [], []>, transpose_lhs_hint = false} : vector<1x100xbf16>, vector<100x200xbf16>, vector<1x200xf32> -> vector<1x200xf32>
    %add3A_349 = vector.broadcast %dot_general3A_348 : vector<1x200xf32> to vector<128x200xf32>
    %add3A_350 = arith.addf %add3A_342, %add3A_349 : vector<128x200xf32>
    %get3A_351 = arith.constant 0 : index
    %get3A_352 = arith.constant 0 : index
    %get3A_353 = vector.load %arg26[%get3A_351, %get3A_352] : memref<1x200xf32, #tpu.memory_space<vmem>>, vector<1x200xf32>
    %add3A_354 = vector.broadcast %get3A_353 : vector<1x200xf32> to vector<128x200xf32>
    %add3A_355 = arith.addf %add3A_350, %add3A_354 : vector<128x200xf32>
    %tanh3A = math.tanh %add3A_355 : vector<128x200xf32>
    %convert_element_type3A_356 = arith.truncf %tanh3A : vector<128x200xf32> to vector<128x200xbf16>
    %get3A_357 = arith.constant 0 : index
    %get3A_358 = arith.constant 0 : index
    %get3A_359 = vector.load %arg27[%get3A_357, %get3A_358] : memref<200x1xbf16, #tpu.memory_space<vmem>>, vector<200x1xbf16>
    %dot_general3A_360 = arith.constant dense<0.000000e+00> : vector<128x1xf32>
    %dot_general3A_361 = tpu.matmul %convert_element_type3A_356, %get3A_359, %dot_general3A_360 {dimension_numbers = #tpu.dot_dimension_numbers<[1], [0], [0], [1], [0, 0, 1, 1], [], []>, transpose_lhs_hint = false} : vector<128x200xbf16>, vector<200x1xbf16>, vector<128x1xf32> -> vector<128x1xf32>
    %get3A_362 = arith.constant 0 : index
    %get3A_363 = arith.constant 0 : index
    %get3A_364 = vector.load %arg28[%get3A_362, %get3A_363] : memref<1x1xf32, #tpu.memory_space<vmem>>, vector<1x1xf32>
    %add3A_365 = vector.broadcast %get3A_364 : vector<1x1xf32> to vector<128x1xf32>
    %add3A_366 = arith.addf %dot_general3A_361, %add3A_365 : vector<128x1xf32>
    %logistic3A = arith.negf %add3A_366 : vector<128x1xf32>
    %logistic3A_367 = math.exp %logistic3A : vector<128x1xf32>
    %logistic3A_368 = arith.constant 1.000000e+00 : f32
    %logistic3A_369 = vector.broadcast %logistic3A_368 : f32 to vector<128x1xf32>
    %logistic3A_370 = arith.addf %logistic3A_369, %logistic3A_367 : vector<128x1xf32>
    %logistic3A_371 = arith.divf %logistic3A_369, %logistic3A_370 : vector<128x1xf32>
    %swap3A_372 = arith.constant 0 : index
    %swap3A_373 = arith.constant 0 : index
    %swap3A_374 = vector.load %arg29[%swap3A_372, %swap3A_373] : memref<128x1xf32, #tpu.memory_space<vmem>>, vector<128x1xf32>
    tpu.vector_store %arg29[%swap3A_372, %swap3A_373], %logistic3A_371 {strides = array<i32>} : memref<128x1xf32, #tpu.memory_space<vmem>>, vector<128x1xf32>,
    return
  }
}

</mosaic_0001>

<sc_bundles>
// kernel: kernel.4.cloned.1.call-start
scs
__scs_entry_jumppad:
0x0: {  	(pc) =	sbr.rel $0x88, $3  }
0x1: {  	(tag) =	ssettag $0x0;
	lr =	simm.s32 $0x1  }
0x2: {  	[smem:$0x3F85] =	sst lr;
	_ =	strace $0xD0000000  }
0x3: {  	_ = 	snop  }
0x4: {  	_ = 	snop  }
0x5: {  	_ = 	snop  }
0x6: {  	_ = 	snop  }
0x7: {  	_ = 	snop  }
__scs_overlays_trampoline_lowered:
0x8: {  	[smem:$0x3F94] =	sst s0  }
0x9: {  	[smem:$0x3F95] =	sst s1  }
0xa: {  	[smem:$0x3F96] =	sst s2  }
0xb: {  	[smem:$0x3F97] =	sst s3  }
0xc: {  	[smem:$0x3F98] =	sst s4  }
0xd: {  	[smem:$0x3F99] =	sst s5  }
0xe: {  	[smem:$0x3F9A] =	sst s6  }
0xf: {  	[smem:$0x3F9B] =	sst s7  }
0x10: {  	[smem:$0x3F9C] =	sst s8  }
0x11: {  	[smem:$0x3F9D] =	sst s9;
	s0 =	simm.s32 @!p0 $0x0  }
0x12: {  	s1 =	sld [smem:$0x3F83];
	s0 =	simm.s32 @p0 $0x1  }
0x13: {  	[smem:$0x3F9E] =	sst s0;
	s0 =	simm.s32 @!p1 $0x0  }
0x14: {  	s2 =	sld [smem:$0x3F82];
	s0 =	simm.s32 @p1 $0x1  }
0x15: {  	[smem:$0x3F9F] =	sst s0;
	s0 =	simm.s32 @!p2 $0x0  }
0x16: {  	s3 =	sld [smem:$0x3FDB];
	s0 =	simm.s32 @p2 $0x1  }
0x17: {  	s4 =	simm.s32 $0x1BF5;
	[smem:$0x3FA1] =	sst s0  }
0x18: {  	s0 =	sld [smem:$0x3F84];
	_ =	swait.ge [sflag:s4], $0x0  }
0x19: {  	s7 =	sld [smem:$0x3F85]  }
0x1a: {  	s8 =	sadd.s32 $0xFFFFE003, lr  }
0x1b: {  	s9 =	sadd.s32 $0xFFFFFEF7, lr;
	s5 =	simm.s32 $0xFFFFFFFF;
	p2 =	slt.u32 s8, $0xFFFFF086  }
0x1c: {  	p1 =	slt.u32 s9, $0xF7A;
	s5 =	simm.s32 @!p2 $0x0  }
0x1d: {  	s5 =	simm.s32 @p1 $0x1;
	p0 =	seq.s32 s7, s2  }
0x1e: {  	s7 =	smul.u32 @!p0 $0xF7A, s2;
	p2 =	seq.s32 @!p0 s5, $0x0  }
0x1f: {  	s9 =	smul.u32 $0xF7A, s1;
	s8 =	simm.s32 @!p0 $0x1BF5;
	p2 =	por !p2, p0  }
0x20: {  	[sflag:s8] =	ssyncset.s32 @!p0 $0xFFFFF086;
	s6 =	sadd.s32 @!p0 s3, s7;
	s7 =	simm.s32 @!p0 $0x108  }
0x21: {  	s3 =	sadd.s32 s3, s9;
	s6 =	sadd.s32 @!p0 $0x88, s6;
	s7 =	simm.s32 @p2 $0x1082  }
0x22: {  	[simem:s7], [sflag:s8] =	dma.local @!p0 [hbm:s6], $0xF7A  }
0x23: {  	s9 =	sor.u32 $0xD0000000, s2;
	s6 =	simm.s32 $0x108;
	_ =	swait.ge @!p0 [sflag:s8], $0x0  }
0x24: {  	s3 =	sadd.s32 $0x88, s3;
	s6 =	simm.s32 @!p1 $0x1082;
	[sflag:s4] =	ssyncset.s32 $0xFFFFF086  }
0x25: {  	[simem:s6], [sflag:s4] =	dma.local [hbm:s3], $0xF7A  }
0x26: {  	[smem:$0x3F85] =	sst s1;
	(tag) =	ssettag s2;
	_ =	strace s9  }
0x27: {  	s1 =	sld [smem:$0x3F95]  }
0x28: {  	s2 =	sld [smem:$0x3F96]  }
0x29: {  	s4 =	sld [smem:$0x3F98]  }
0x2a: {  	p0 =	seq.s32 s5, $0x0;
	s5 =	sld [smem:$0x3F99]  }
0x2b: {  	s6 =	sld [smem:$0x3F9A]  }
0x2c: {  	s7 =	sld [smem:$0x3F9B]  }
0x2d: {  	s3 =	simm.s32 $0x108;
	s8 =	sld [smem:$0x3F9C]  }
0x2e: {  	s3 =	simm.s32 @!p0 $0x1082;
	s9 =	sld [smem:$0x3F9D]  }
0x2f: {  	lr =	sadd.s32 s0, s3;
	s0 =	sld [smem:$0x3F94]  }
0x30: {  	s3 =	sld [smem:$0x3F97]  }
0x31: {  	[smem:$0x3FA0] =	sst s10  }
0x32: {  	s10 =	sld [smem:$0x3F9E];
	_ =	sdelay $0x3  }
0x33: {  	p0 =	seq.s32 s10, $0x1;
	s10 =	sld [smem:$0x3FA0];
	_ =	sdelay $0x3  }
0x34: {  	[smem:$0x3FA0] =	sst s10  }
0x35: {  	s10 =	sld [smem:$0x3F9F];
	_ =	sdelay $0x3  }
0x36: {  	p1 =	seq.s32 s10, $0x1;
	s10 =	sld [smem:$0x3FA0];
	_ =	sdelay $0x3  }
0x37: {  	[smem:$0x3FA0] =	sst s10  }
0x38: {  	s10 =	sld [smem:$0x3FA1]  }
0x39: {  	_ = 	snop;
	(pc) =	sbr.ind lr, $3  }
0x3a: {  	_ = 	snop  }
0x3b: {  	_ = 	snop  }
0x3c: {  	p2 =	seq.s32 s10, $0x1;
	s10 =	sld [smem:$0x3FA0]  }
0x3d: {  	_ =	shalt  }
0x3e: {  	_ =	shalt  }
0x3f: {  	_ =	shalt  }
0x40: {  	_ =	shalt  }
0x41: {  	_ =	shalt  }
0x42: {  	_ =	shalt  }
0x43: {  	_ =	shalt  }
0x44: {  	_ =	shalt  }
0x45: {  	_ =	shalt  }
0x46: {  	_ =	shalt  }
0x47: {  	_ =	shalt  }
0x48: {  	_ =	shalt  }
0x49: {  	_ =	shalt  }
0x4a: {  	_ =	shalt  }
0x4b: {  	_ =	shalt  }
0x4c: {  	_ =	shalt  }
0x4d: {  	_ =	shalt  }
0x4e: {  	_ =	shalt  }
0x4f: {  	_ =	shalt  }
0x50: {  	_ =	shalt  }
0x51: {  	_ =	shalt  }
0x52: {  	_ =	shalt  }
0x53: {  	_ =	shalt  }
0x54: {  	_ =	shalt  }
0x55: {  	_ =	shalt  }
0x56: {  	_ =	shalt  }
0x57: {  	_ =	shalt  }
0x58: {  	_ =	shalt  }
0x59: {  	_ =	shalt  }
0x5a: {  	_ =	shalt  }
0x5b: {  	_ =	shalt  }
0x5c: {  	_ =	shalt  }
0x5d: {  	_ =	shalt  }
0x5e: {  	_ =	shalt  }
0x5f: {  	_ =	shalt  }
0x60: {  	_ =	shalt  }
0x61: {  	_ =	shalt  }
0x62: {  	_ =	shalt  }
0x63: {  	_ =	shalt  }
0x64: {  	_ =	shalt  }
0x65: {  	_ =	shalt  }
0x66: {  	_ =	shalt  }
0x67: {  	_ =	shalt  }
0x68: {  	_ =	shalt  }
0x69: {  	_ =	shalt  }
0x6a: {  	_ =	shalt  }
0x6b: {  	_ =	shalt  }
0x6c: {  	_ =	shalt  }
0x6d: {  	_ =	shalt  }
0x6e: {  	_ =	shalt  }
0x6f: {  	_ =	shalt  }
0x70: {  	_ =	shalt  }
0x71: {  	_ =	shalt  }
0x72: {  	_ =	shalt  }
0x73: {  	_ =	shalt  }
0x74: {  	_ =	shalt  }
0x75: {  	_ =	shalt  }
0x76: {  	_ =	shalt  }
0x77: {  	_ =	shalt  }
0x78: {  	_ =	shalt  }
0x79: {  	_ =	shalt  }
0x7a: {  	_ =	shalt  }
0x7b: {  	_ =	shalt  }
0x7c: {  	_ =	shalt  }
0x7d: {  	_ =	shalt  }
0x7e: {  	_ =	shalt  }
0x7f: {  	_ =	shalt  }
0x80: {  	_ =	shalt  }
0x81: {  	_ =	shalt  }
0x82: {  	_ =	shalt  }
0x83: {  	_ =	shalt  }
0x84: {  	_ =	shalt  }
0x85: {  	_ =	shalt  }
0x86: {  	_ =	shalt  }
0x87: {  	_ =	shalt  }
.Lfunc_end0:
.L_simem_size_0:
called_computation_lowered:
.L_overlay_start_0:
0x88: {  	s2 =	sld [smem:$0x3FD9]  }
0x89: {  	s3 =	sld [smem:$0x3FFE];
	_ =	sdelay $0x1  }
0x8a: {  	s1 =	srdreg.scid  }
0x8b: {  	s0 =	sand.u32 $0x1, s1  }
0x8c: {  	s17 =	sshll.u32 s0, $0xA;
	s2 =	sadd.s32 s3, s2  }
0x8d: {  	s2 =	sadd.s32 s2, s17  }
0x8e: {  	[smem:$0x3FAC] =	sst s2  }
0x8f: {  	_ = 	snop  }
0x90: {  	s2 =	sld [smem:$0x3FC9]  }
0x91: {  	s18 =	sld [smem:$0x3FC8];
	(tm) =	ssettm $0x1  }
0x92: {  	s4 =	sld [smem:$0x3FFB];
	_ =	sdelay $0x3  }
0x93: {  	_ =	strace s4  }
0x94: {  	s4 =	sld [smem:$0x3FFC];
	_ =	sdelay $0x3  }
0x95: {  	_ =	strace s4  }
0x96: {  	s4 =	sld [smem:$0x3FFD];
	_ =	sdelay $0x3  }
0x97: {  	_ =	strace s4  }
0x98: {  	_ =	strace $0x8FFFFFFF  }
0x99: {  	s19 =	sld [smem:$0x3FDB];
	_ =	sdelay $0x1  }
0x9a: {  	s5 =	simm.s32 $_scs_section_size  }
0x9b: {  	s6 =	simm.s32 $_size__tile_overlayer_lowered;
	s7 =	simm.s32 $_tile_overlayer_lowered  }
0x9c: {  	s22 =	simm.s32 $0x1BFF;
	s21 =	sshll.u32 s7, $0x1;
	s4 =	sadd.s32 s5, s19  }
0x9d: {  	s8 =	simm.s32 $0x0;
	s20 =	sshll.u32 s6, $0x1;
	s6 =	sadd.s32 s21, s4  }
0x9e: {  	[timem:s8], [sflag:s22] =	dma.local [hbm:s6], s20  }
0x9f: {  	_ =	swait.ge [sflag:s22], s20  }
0xa0: {  	s5 =	ssub.s32 $0x0, s20;
	[sflag:s22] =	ssyncset.done $0x0  }
0xa1: {  	[sflag:s22] =	ssyncadd.s32 s5;
	_ =	sdelay $0x1  }
0xa2: {  	s23 =	simm.s32 $0x1B8B  }
0xa3: {  	_ =	swait.ge [sflag:s23], $0x1  }
0xa4: {  	[sflag:s23] =	ssyncset.done $0x0  }
0xa5: {  	s25 =	simm.s32 $0x1B8E;
	s24 =	sld [smem:$0x3FFE];
	[sflag:s23] =	ssyncadd.s32 $0xFFFFFFFF  }
0xa6: {  	s26 =	simm.s32 $execute0_lowered;
	[smem:$0x3FD2] =	sst s25  }
0xa7: {  	s6 =	sshll.u32 s26, $0x1;
	_ =	strace $0x80000046;
	[dreg:$0x1] =	wrdreg $0xFFFFFFFF  }
0xa8: {  	s28 =	simm.s32 $_size_execute0_lowered;
	s4 =	sadd.s32 s4, s6;
	[dreg:$0x0] =	wrdreg $0x0  }
0xa9: {  	s6 =	sshll.u32 s28, $0x1;
	[dreg:$0x2] =	wrdreg s4  }
0xaa: {  	[dreg:$0x3] =	wrdreg s6  }
0xab: {  	[dreg:$0x4] =	wrdreg $0xC0  }
0xac: {  	_ =	task [dreg:s8], $0x5FFFF  }
0xad: {  	[dreg:$0x1] =	wrdreg $0xFFFFFFFF  }
0xae: {  	[dreg:$0x0] =	wrdreg $0x60  }
0xaf: {  	[dreg:$0x2] =	wrdreg s18  }
0xb0: {  	[dreg:$0x3] =	wrdreg s2  }
0xb1: {  	[dreg:$0x4] =	wrdreg s24  }
0xb2: {  	[dreg:$0x5] =	wrdreg $0x9  }
0xb3: {  	_ =	task.clear_ibuf [dreg:s8], $0x6FFFF;
	_ =	strace $0x90000046  }
0xb4: {  	s29 =	simm.s32 $0x9;
	_ =	strace $0x80000048  }
0xb5: {  	_ =	swait.ge [sflag:s29], $0x1  }
0xb6: {  	[sflag:s29] =	ssyncadd.s32 $0xFFFFFFFF  }
0xb7: {  	_ =	strace $0x90000048  }
0xb8: {  	_ =	sfence  }
0xb9: {  	s30 =	sld [smem:$0x0];
	_ =	sdelay $0x2  }
0xba: {  	s31 =	sshll.u32 s1, $0xD;
	s1 =	sshrl.u32 s1, $0x2  }
0xbb: {  	s3 =	sand.u32 $0x4000, s31;
	s1 =	sadd.s32 s1, s30  }
0xbc: {  	s0 =	sor.u32 s3, s0;
	s1 =	sshll.u32 s1, $0x11  }
0xbd: {  	s0 =	sor.u32 s1, s0  }
0xbe: {  	s0 =	sadd.s32 $0x8F2B, s0  }
0xbf: {  	[sflag:s0] =	ssyncadd.remote.s32 $0x1  }
0xc0: {  	_ =	sfence.sel $0xFFFF  }
0xc1: {  	[dreg:$0x0] =	wrdreg $0xFFFFFFFF;
	(pc) =	sbr.abs _section_cstart, $3  }
0xc2: {  	[dreg:$0x1] =	wrdreg $0xFFFFFFFF  }
0xc3: {  	_ =	task.clear_ibuf [dreg:s8], $0x2FFFF;
	_ =	strace $0x9FFFFFFF  }
0xc4: {  	(tm) =	ssettm $0x7FFFFFFF  }
0xc5: {  	_ =	shalt  }
tec
execute0_lowered:
.L_overlay_start_1:
0x0: {  	(tag) =	ssettag $0x1  }
0x1: {  	s2 =	srdreg.scid  }
0x2: {  	s0 =	stileid.u32;
	s1 =	rddreg [dreg:$0x0]  }
0x3: {  	s4 =	rddreg [dreg:$0x1];
	s2 =	sand.u32 $0x1, s2;
	s3 =	sshll.u32 s0, $0x1  }
0x4: {  	s6 =	rddreg [dreg:$0x2];
	s5 =	sor.u32 s2, s3;
	s3 =	simm.s32 $0x0  }
0x5: {  	s24 =	simm.s32 $0xA00;
	[smem:$0x7FF] =	sst s3  }
0x6: {  	s25 =	simm.s32 $0x1200;
	_ =	strace $0x80000047;
	[dreg:$0x6] =	wrdreg s24  }
0x7: {  	s26 =	simm.s32 $0x1A00;
	[dreg:$0x7] =	wrdreg s25  }
0x8: {  	s0 =	simm.s32 $0x2200;
	[dreg:$0x8] =	wrdreg s26  }
0x9: {  	s8 =	simm.s32 $0x4200;
	[dreg:$0x9] =	wrdreg s0  }
0xa: {  	s9 =	simm.s32 $0x4A00;
	[dreg:$0xd] =	wrdreg s8  }
0xb: {  	s10 =	simm.s32 $0x5200;
	[dreg:$0xe] =	wrdreg s9  }
0xc: {  	s11 =	simm.s32 $0x5A00;
	[dreg:$0xf] =	wrdreg s10  }
0xd: {  	s12 =	simm.s32 $0x6200;
	[dreg:$0x10] =	wrdreg s11  }
0xe: {  	s13 =	simm.s32 $0x6A00;
	[dreg:$0x11] =	wrdreg s12  }
0xf: {  	s14 =	simm.s32 $0x7200;
	[dreg:$0x12] =	wrdreg s13  }
0x10: {  	s15 =	simm.s32 $0x7A00;
	s16 =	simm.s32 $0x8200;
	[dreg:$0x13] =	wrdreg s14  }
0x11: {  	s17 =	simm.s32 $0x8A00;
	s18 =	simm.s32 $0x9200;
	[dreg:$0x14] =	wrdreg s15  }
0x12: {  	s19 =	simm.s32 $0x9A00;
	s20 =	simm.s32 $0xA200;
	[dreg:$0x15] =	wrdreg s16  }
0x13: {  	s21 =	simm.s32 $0xAA00;
	s28 =	simm.s32 $0x17200;
	[dreg:$0x16] =	wrdreg s17  }
0x14: {  	s29 =	simm.s32 $0x17A00;
	s30 =	simm.s32 $0x18200;
	[dreg:$0x17] =	wrdreg s18  }
0x15: {  	s31 =	simm.s32 $0x18A00;
	s2 =	ssub.s32 $0x2, s2;
	[dreg:$0x18] =	wrdreg s19  }
0x16: {  	s7 =	smul.u32 $0x3200, s5;
	s22 =	sshrl.u32 s2, $0x1;
	[dreg:$0x19] =	wrdreg s20  }
0x17: {  	s5 =	smul.u32 $0x32, s5;
	[dreg:$0x1a] =	wrdreg s21;
	s2 =	ssub.s32 s2, s22  }
0x18: {  	s24 =	simm.s32 $0xBA00;
	s25 =	simm.s32 $0xC200;
	s26 =	simm.s32 $0xCA00  }
0x19: {  	s8 =	simm.s32 $0xDA00;
	s9 =	simm.s32 $0xE200;
	s10 =	simm.s32 $0xEA00  }
0x1a: {  	s11 =	simm.s32 $0xF200;
	s12 =	simm.s32 $0xFA00;
	s13 =	simm.s32 $0x10200  }
0x1b: {  	s14 =	simm.s32 $0x10A00;
	s15 =	simm.s32 $0x11200;
	s16 =	simm.s32 $0x11A00  }
0x1c: {  	s17 =	simm.s32 $0x12200;
	s18 =	simm.s32 $0x12A00;
	s19 =	simm.s32 $0x13200  }
0x1d: {  	s20 =	simm.s32 $0x13A00;
	s21 =	simm.s32 $0x14200;
	[dreg:$0x1c] =	wrdreg s24  }
0x1e: {  	s22 =	simm.s32 $0x14A00;
	s6 =	sadd.s32 s7, s6;
	[dreg:$0x1d] =	wrdreg s25  }
0x1f: {  	s4 =	sadd.s32 s4, s5;
	s5 =	simm.s32 $0x2A00;
	[dreg:$0x1e] =	wrdreg s26  }
0x20: {  	s7 =	simm.s32 $0x3A00;
	s24 =	simm.s32 $0x15A00;
	[dreg:$0x4] =	wrdreg s4  }
0x21: {  	s25 =	simm.s32 $0x16200;
	s26 =	simm.s32 $0x16A00;
	[dreg:$0xa] =	wrdreg s5  }
0x22: {  	s23 =	sadd.s32 $0x3400, s6;
	s6 =	simm.s32 $0x3200;
	[dreg:$0xc] =	wrdreg s7  }
0x23: {  	v2 =	vlaneseq.u32;
	s4 =	smax.u32 s2, $0x1;
	s5 =	simm.s32 $0x2;
	[dreg:$0x5] =	wrdreg s23  }
0x24: {  	vm0 =	vmmov $0xffff;
	v1 =	vshrl.u32 v2, $0x3;
	s2 =	simm.s32 $0x1;
	[dreg:$0xb] =	wrdreg s6;
	s23 =	simm.s32 $0xB200  }
0x25: {  	v0 =	vand.u32 $0x7, v2;
	v2 =	vor.u32 $0x8, v2;
	v1 =	vmul.u32 $0x8, v1;
	s6 =	simm.s32 $0x200;
	[dreg:$0x1b] =	wrdreg s23;
	s23 =	simm.s32 $0x15200  }
.LBB2_1:
0x26: {  	s0 =	rddreg [dreg:$0x4]  }
0x27: {  	[tilespmem:s3], [sflag:$0x2] =	stream.linear.gather [hbm4b:s0+s3], $0x190, $0x38;
	[tilespmem:$0x19200] =	vst v63  }
0x28: {  	_ =	swait.ge [sflag:s5], $0x190  }
0x29: {  	[sflag:s5] =	ssyncset.done $0x0  }
0x2a: {  	[sflag:s5] =	ssyncadd.s32 $0xFFFFFE70  }
0x2b: {  	v3 =	vld [tilespmem:$0x0];
	_ =	sdelay $0x4  }
0x2c: {  	v4 =	vshll.u32 v3, $0x1  }
0x2d: {  	v3 =	vand.u32 $0x7, v3;
	v4 =	vand.u32 $0xFFFFFFF0, v4  }
0x2e: {  	v3 =	vor.u32 v3, v4  }
0x2f: {  	v4 =	vperm.xlane v3, v0;
	_ =	sdelay $0x1  }
0x30: {  	v3 =	vperm.xlane v3, v2;
	v4 =	vadd.s32 v1, v4;
	_ =	sdelay $0x1  }
0x31: {  	v3 =	vadd.s32 v1, v3;
	_ =	sdelay $0x2  }
0x32: {  	[tilespmem:s6], [sflag:$0x1] =	stream.indirect_vreg.gather [hbm4b:s1+s3], $0x80, v4, vm0, $0xb8;
	[tilespmem:$0x19200] =	vst v63  }
0x33: {  	s7 =	rddreg [dreg:$0x6]  }
0x34: {  	[tilespmem:s7], [sflag:$0x1] =	stream.indirect_vreg.gather [hbm4b:s1+s3], $0x80, v3, vm0, $0xb8;
	[tilespmem:$0x19200] =	vst v63  }
0x35: {  	v3 =	vld [tilespmem:$0x10];
	_ =	sdelay $0x4  }
0x36: {  	v40 =	vshll.u32 v3, $0x1  }
0x37: {  	v3 =	vand.u32 $0x7, v3;
	v4 =	vand.u32 $0xFFFFFFF0, v40  }
0x38: {  	v3 =	vor.u32 v3, v4  }
0x39: {  	v4 =	vperm.xlane v3, v0;
	_ =	sdelay $0x1  }
0x3a: {  	v3 =	vperm.xlane v3, v2;
	v4 =	vadd.s32 v1, v4;
	_ =	sdelay $0x1  }
0x3b: {  	v3 =	vadd.s32 v1, v3;
	_ =	sdelay $0x1  }
0x3c: {  	s0 =	rddreg [dreg:$0x7]  }
0x3d: {  	[tilespmem:s0], [sflag:$0x1] =	stream.indirect_vreg.gather [hbm4b:s1+s3], $0x80, v4, vm0, $0xb8;
	[tilespmem:$0x19200] =	vst v63  }
0x3e: {  	s7 =	rddreg [dreg:$0x8]  }
0x3f: {  	[tilespmem:s7], [sflag:$0x1] =	stream.indirect_vreg.gather [hbm4b:s1+s3], $0x80, v3, vm0, $0xb8;
	[tilespmem:$0x19200] =	vst v63  }
0x40: {  	v3 =	vld [tilespmem:$0x20];
	_ =	sdelay $0x4  }
0x41: {  	v41 =	vshll.u32 v3, $0x1  }
0x42: {  	v3 =	vand.u32 $0x7, v3;
	v4 =	vand.u32 $0xFFFFFFF0, v41  }
0x43: {  	v3 =	vor.u32 v3, v4  }
0x44: {  	v4 =	vperm.xlane v3, v0;
	_ =	sdelay $0x1  }
0x45: {  	v3 =	vperm.xlane v3, v2;
	v4 =	vadd.s32 v1, v4;
	_ =	sdelay $0x1  }
0x46: {  	v3 =	vadd.s32 v1, v3;
	_ =	sdelay $0x1  }
0x47: {  	s0 =	rddreg [dreg:$0x9]  }
0x48: {  	[tilespmem:s0], [sflag:$0x1] =	stream.indirect_vreg.gather [hbm4b:s1+s3], $0x80, v4, vm0, $0xb8;
	[tilespmem:$0x19200] =	vst v63  }
0x49: {  	s7 =	rddreg [dreg:$0xa]  }
0x4a: {  	[tilespmem:s7], [sflag:$0x1] =	stream.indirect_vreg.gather [hbm4b:s1+s3], $0x80, v3, vm0, $0xb8;
	[tilespmem:$0x19200] =	vst v63  }
0x4b: {  	v3 =	vld [tilespmem:$0x30];
	_ =	sdelay $0x4  }
0x4c: {  	v42 =	vshll.u32 v3, $0x1  }
0x4d: {  	v3 =	vand.u32 $0x7, v3;
	v4 =	vand.u32 $0xFFFFFFF0, v42  }
0x4e: {  	v3 =	vor.u32 v3, v4  }
0x4f: {  	v4 =	vperm.xlane v3, v0;
	_ =	sdelay $0x1  }
0x50: {  	v3 =	vperm.xlane v3, v2;
	v4 =	vadd.s32 v1, v4;
	_ =	sdelay $0x1  }
0x51: {  	v3 =	vadd.s32 v1, v3;
	_ =	sdelay $0x1  }
0x52: {  	s0 =	rddreg [dreg:$0xb]  }
0x53: {  	[tilespmem:s0], [sflag:$0x1] =	stream.indirect_vreg.gather [hbm4b:s1+s3], $0x80, v4, vm0, $0xb8;
	[tilespmem:$0x19200] =	vst v63  }
0x54: {  	s7 =	rddreg [dreg:$0xc]  }
0x55: {  	[tilespmem:s7], [sflag:$0x1] =	stream.indirect_vreg.gather [hbm4b:s1+s3], $0x80, v3, vm0, $0xb8;
	[tilespmem:$0x19200] =	vst v63  }
0x56: {  	v3 =	vld [tilespmem:$0x40];
	_ =	sdelay $0x4  }
0x57: {  	v43 =	vshll.u32 v3, $0x1  }
0x58: {  	v3 =	vand.u32 $0x7, v3;
	v4 =	vand.u32 $0xFFFFFFF0, v43  }
0x59: {  	v3 =	vor.u32 v3, v4  }
0x5a: {  	v4 =	vperm.xlane v3, v0;
	_ =	sdelay $0x1  }
0x5b: {  	v3 =	vperm.xlane v3, v2;
	v4 =	vadd.s32 v1, v4;
	_ =	sdelay $0x1  }
0x5c: {  	v3 =	vadd.s32 v1, v3;
	_ =	sdelay $0x1  }
0x5d: {  	s0 =	rddreg [dreg:$0xd]  }
0x5e: {  	[tilespmem:s0], [sflag:$0x1] =	stream.indirect_vreg.gather [hbm4b:s1+s3], $0x80, v4, vm0, $0xb8;
	[tilespmem:$0x19200] =	vst v63  }
0x5f: {  	s7 =	rddreg [dreg:$0xe]  }
0x60: {  	[tilespmem:s7], [sflag:$0x1] =	stream.indirect_vreg.gather [hbm4b:s1+s3], $0x80, v3, vm0, $0xb8;
	[tilespmem:$0x19200] =	vst v63  }
0x61: {  	v3 =	vld [tilespmem:$0x50];
	_ =	sdelay $0x4  }
0x62: {  	v44 =	vshll.u32 v3, $0x1  }
0x63: {  	v3 =	vand.u32 $0x7, v3;
	v4 =	vand.u32 $0xFFFFFFF0, v44  }
0x64: {  	v3 =	vor.u32 v3, v4  }
0x65: {  	v4 =	vperm.xlane v3, v0;
	_ =	sdelay $0x1  }
0x66: {  	v3 =	vperm.xlane v3, v2;
	v4 =	vadd.s32 v1, v4;
	_ =	sdelay $0x1  }
0x67: {  	v3 =	vadd.s32 v1, v3;
	_ =	sdelay $0x1  }
0x68: {  	s0 =	rddreg [dreg:$0xf]  }
0x69: {  	[tilespmem:s0], [sflag:$0x1] =	stream.indirect_vreg.gather [hbm4b:s1+s3], $0x80, v4, vm0, $0xb8;
	[tilespmem:$0x19200] =	vst v63  }
0x6a: {  	s7 =	rddreg [dreg:$0x10]  }
0x6b: {  	[tilespmem:s7], [sflag:$0x1] =	stream.indirect_vreg.gather [hbm4b:s1+s3], $0x80, v3, vm0, $0xb8;
	[tilespmem:$0x19200] =	vst v63  }
0x6c: {  	v3 =	vld [tilespmem:$0x60];
	_ =	sdelay $0x4  }
0x6d: {  	v45 =	vshll.u32 v3, $0x1  }
0x6e: {  	v3 =	vand.u32 $0x7, v3;
	v4 =	vand.u32 $0xFFFFFFF0, v45  }
0x6f: {  	v3 =	vor.u32 v3, v4  }
0x70: {  	v4 =	vperm.xlane v3, v0;
	_ =	sdelay $0x1  }
0x71: {  	v3 =	vperm.xlane v3, v2;
	v4 =	vadd.s32 v1, v4;
	_ =	sdelay $0x1  }
0x72: {  	v3 =	vadd.s32 v1, v3;
	_ =	sdelay $0x1  }
0x73: {  	s0 =	rddreg [dreg:$0x11]  }
0x74: {  	[tilespmem:s0], [sflag:$0x1] =	stream.indirect_vreg.gather [hbm4b:s1+s3], $0x80, v4, vm0, $0xb8;
	[tilespmem:$0x19200] =	vst v63  }
0x75: {  	s7 =	rddreg [dreg:$0x12]  }
0x76: {  	[tilespmem:s7], [sflag:$0x1] =	stream.indirect_vreg.gather [hbm4b:s1+s3], $0x80, v3, vm0, $0xb8;
	[tilespmem:$0x19200] =	vst v63  }
0x77: {  	v3 =	vld [tilespmem:$0x70];
	_ =	sdelay $0x4  }
0x78: {  	v46 =	vshll.u32 v3, $0x1  }
0x79: {  	v3 =	vand.u32 $0x7, v3;
	v4 =	vand.u32 $0xFFFFFFF0, v46  }
0x7a: {  	v3 =	vor.u32 v3, v4  }
0x7b: {  	v4 =	vperm.xlane v3, v0;
	_ =	sdelay $0x1  }
0x7c: {  	v3 =	vperm.xlane v3, v2;
	v4 =	vadd.s32 v1, v4;
	_ =	sdelay $0x1  }
0x7d: {  	v3 =	vadd.s32 v1, v3;
	_ =	sdelay $0x1  }
0x7e: {  	s0 =	rddreg [dreg:$0x13]  }
0x7f: {  	[tilespmem:s0], [sflag:$0x1] =	stream.indirect_vreg.gather [hbm4b:s1+s3], $0x80, v4, vm0, $0xb8;
	[tilespmem:$0x19200] =	vst v63  }
0x80: {  	s7 =	rddreg [dreg:$0x14]  }
0x81: {  	[tilespmem:s7], [sflag:$0x1] =	stream.indirect_vreg.gather [hbm4b:s1+s3], $0x80, v3, vm0, $0xb8;
	[tilespmem:$0x19200] =	vst v63  }
0x82: {  	v3 =	vld [tilespmem:$0x80];
	_ =	sdelay $0x4  }
0x83: {  	v47 =	vshll.u32 v3, $0x1  }
0x84: {  	v3 =	vand.u32 $0x7, v3;
	v4 =	vand.u32 $0xFFFFFFF0, v47  }
0x85: {  	v3 =	vor.u32 v3, v4  }
0x86: {  	v4 =	vperm.xlane v3, v0;
	_ =	sdelay $0x1  }
0x87: {  	v3 =	vperm.xlane v3, v2;
	v4 =	vadd.s32 v1, v4;
	_ =	sdelay $0x1  }
0x88: {  	v3 =	vadd.s32 v1, v3;
	_ =	sdelay $0x1  }
0x89: {  	s0 =	rddreg [dreg:$0x15]  }
0x8a: {  	[tilespmem:s0], [sflag:$0x1] =	stream.indirect_vreg.gather [hbm4b:s1+s3], $0x80, v4, vm0, $0xb8;
	[tilespmem:$0x19200] =	vst v63  }
0x8b: {  	s7 =	rddreg [dreg:$0x16]  }
0x8c: {  	[tilespmem:s7], [sflag:$0x1] =	stream.indirect_vreg.gather [hbm4b:s1+s3], $0x80, v3, vm0, $0xb8;
	[tilespmem:$0x19200] =	vst v63  }
0x8d: {  	v3 =	vld [tilespmem:$0x90];
	_ =	sdelay $0x4  }
0x8e: {  	v48 =	vshll.u32 v3, $0x1  }
0x8f: {  	v3 =	vand.u32 $0x7, v3;
	v4 =	vand.u32 $0xFFFFFFF0, v48  }
0x90: {  	v3 =	vor.u32 v3, v4  }
0x91: {  	v4 =	vperm.xlane v3, v0;
	_ =	sdelay $0x1  }
0x92: {  	v3 =	vperm.xlane v3, v2;
	v4 =	vadd.s32 v1, v4;
	_ =	sdelay $0x1  }
0x93: {  	v3 =	vadd.s32 v1, v3;
	_ =	sdelay $0x1  }
0x94: {  	s0 =	rddreg [dreg:$0x17]  }
0x95: {  	[tilespmem:s0], [sflag:$0x1] =	stream.indirect_vreg.gather [hbm4b:s1+s3], $0x80, v4, vm0, $0xb8;
	[tilespmem:$0x19200] =	vst v63  }
0x96: {  	s7 =	rddreg [dreg:$0x18]  }
0x97: {  	[tilespmem:s7], [sflag:$0x1] =	stream.indirect_vreg.gather [hbm4b:s1+s3], $0x80, v3, vm0, $0xb8;
	[tilespmem:$0x19200] =	vst v63  }
0x98: {  	v3 =	vld [tilespmem:$0xA0];
	_ =	sdelay $0x4  }
0x99: {  	v49 =	vshll.u32 v3, $0x1  }
0x9a: {  	v3 =	vand.u32 $0x7, v3;
	v4 =	vand.u32 $0xFFFFFFF0, v49  }
0x9b: {  	v3 =	vor.u32 v3, v4  }
0x9c: {  	v4 =	vperm.xlane v3, v0;
	_ =	sdelay $0x1  }
0x9d: {  	v3 =	vperm.xlane v3, v2;
	v4 =	vadd.s32 v1, v4;
	_ =	sdelay $0x1  }
0x9e: {  	v3 =	vadd.s32 v1, v3;
	_ =	sdelay $0x1  }
0x9f: {  	s0 =	rddreg [dreg:$0x19]  }
0xa0: {  	[tilespmem:s0], [sflag:$0x1] =	stream.indirect_vreg.gather [hbm4b:s1+s3], $0x80, v4, vm0, $0xb8;
	[tilespmem:$0x19200] =	vst v63  }
0xa1: {  	s7 =	rddreg [dreg:$0x1a]  }
0xa2: {  	[tilespmem:s7], [sflag:$0x1] =	stream.indirect_vreg.gather [hbm4b:s1+s3], $0x80, v3, vm0, $0xb8;
	[tilespmem:$0x19200] =	vst v63  }
0xa3: {  	v3 =	vld [tilespmem:$0xB0];
	_ =	sdelay $0x4  }
0xa4: {  	v50 =	vshll.u32 v3, $0x1  }
0xa5: {  	v3 =	vand.u32 $0x7, v3;
	v4 =	vand.u32 $0xFFFFFFF0, v50  }
0xa6: {  	v3 =	vor.u32 v3, v4  }
0xa7: {  	v4 =	vperm.xlane v3, v0;
	_ =	sdelay $0x1  }
0xa8: {  	v3 =	vperm.xlane v3, v2;
	v4 =	vadd.s32 v1, v4;
	_ =	sdelay $0x1  }
0xa9: {  	v3 =	vadd.s32 v1, v3;
	_ =	sdelay $0x1  }
0xaa: {  	s0 =	rddreg [dreg:$0x1b]  }
0xab: {  	[tilespmem:s0], [sflag:$0x1] =	stream.indirect_vreg.gather [hbm4b:s1+s3], $0x80, v4, vm0, $0xb8;
	[tilespmem:$0x19200] =	vst v63  }
0xac: {  	s7 =	rddreg [dreg:$0x1c]  }
0xad: {  	[tilespmem:s7], [sflag:$0x1] =	stream.indirect_vreg.gather [hbm4b:s1+s3], $0x80, v3, vm0, $0xb8;
	[tilespmem:$0x19200] =	vst v63  }
0xae: {  	v3 =	vld [tilespmem:$0xC0];
	_ =	sdelay $0x4  }
0xaf: {  	v51 =	vshll.u32 v3, $0x1  }
0xb0: {  	v3 =	vand.u32 $0x7, v3;
	v4 =	vand.u32 $0xFFFFFFF0, v51  }
0xb1: {  	v3 =	vor.u32 v3, v4  }
0xb2: {  	v4 =	vperm.xlane v3, v0;
	_ =	sdelay $0x1  }
0xb3: {  	v3 =	vperm.xlane v3, v2;
	v4 =	vadd.s32 v1, v4;
	_ =	sdelay $0x1  }
0xb4: {  	v3 =	vadd.s32 v1, v3;
	_ =	sdelay $0x1  }
0xb5: {  	s0 =	rddreg [dreg:$0x1d]  }
0xb6: {  	[tilespmem:s0], [sflag:$0x1] =	stream.indirect_vreg.gather [hbm4b:s1+s3], $0x80, v4, vm0, $0xb8;
	[tilespmem:$0x19200] =	vst v63  }
0xb7: {  	s7 =	rddreg [dreg:$0x1e]  }
0xb8: {  	[tilespmem:s7], [sflag:$0x1] =	stream.indirect_vreg.gather [hbm4b:s1+s3], $0x80, v3, vm0, $0xb8;
	[tilespmem:$0x19200] =	vst v63  }
0xb9: {  	v3 =	vld [tilespmem:$0xD0];
	_ =	sdelay $0x4  }
0xba: {  	v52 =	vshll.u32 v3, $0x1  }
0xbb: {  	v3 =	vand.u32 $0x7, v3;
	v4 =	vand.u32 $0xFFFFFFF0, v52  }
0xbc: {  	v3 =	vor.u32 v3, v4  }
0xbd: {  	v4 =	vperm.xlane v3, v0;
	_ =	sdelay $0x1  }
0xbe: {  	v3 =	vperm.xlane v3, v2;
	v4 =	vadd.s32 v1, v4;
	_ =	sdelay $0x1  }
0xbf: {  	v3 =	vadd.s32 v1, v3;
	_ =	sdelay $0x1  }
0xc0: {  	s7 =	simm.s32 $0xD200  }
0xc1: {  	[tilespmem:s7], [sflag:$0x1] =	stream.indirect_vreg.gather [hbm4b:s1+s3], $0x80, v4, vm0, $0xb8;
	[tilespmem:$0x19200] =	vst v63  }
0xc2: {  	_ = 	snop  }
0xc3: {  	[tilespmem:s8], [sflag:$0x1] =	stream.indirect_vreg.gather [hbm4b:s1+s3], $0x80, v3, vm0, $0xb8;
	[tilespmem:$0x19200] =	vst v63  }
0xc4: {  	v3 =	vld [tilespmem:$0xE0];
	_ =	sdelay $0x4  }
0xc5: {  	v53 =	vshll.u32 v3, $0x1  }
0xc6: {  	v3 =	vand.u32 $0x7, v3;
	v4 =	vand.u32 $0xFFFFFFF0, v53  }
0xc7: {  	v3 =	vor.u32 v3, v4  }
0xc8: {  	v4 =	vperm.xlane v3, v0;
	_ =	sdelay $0x1  }
0xc9: {  	v3 =	vperm.xlane v3, v2;
	v4 =	vadd.s32 v1, v4;
	_ =	sdelay $0x1  }
0xca: {  	v3 =	vadd.s32 v1, v3;
	_ =	sdelay $0x2  }
0xcb: {  	[tilespmem:s9], [sflag:$0x1] =	stream.indirect_vreg.gather [hbm4b:s1+s3], $0x80, v4, vm0, $0xb8;
	[tilespmem:$0x19200] =	vst v63  }
0xcc: {  	_ = 	snop  }
0xcd: {  	[tilespmem:s10], [sflag:$0x1] =	stream.indirect_vreg.gather [hbm4b:s1+s3], $0x80, v3, vm0, $0xb8;
	[tilespmem:$0x19200] =	vst v63  }
0xce: {  	v3 =	vld [tilespmem:$0xF0];
	_ =	sdelay $0x4  }
0xcf: {  	v54 =	vshll.u32 v3, $0x1  }
0xd0: {  	v3 =	vand.u32 $0x7, v3;
	v4 =	vand.u32 $0xFFFFFFF0, v54  }
0xd1: {  	v3 =	vor.u32 v3, v4  }
0xd2: {  	v4 =	vperm.xlane v3, v0;
	_ =	sdelay $0x1  }
0xd3: {  	v3 =	vperm.xlane v3, v2;
	v4 =	vadd.s32 v1, v4;
	_ =	sdelay $0x1  }
0xd4: {  	v3 =	vadd.s32 v1, v3;
	_ =	sdelay $0x2  }
0xd5: {  	[tilespmem:s11], [sflag:$0x1] =	stream.indirect_vreg.gather [hbm4b:s1+s3], $0x80, v4, vm0, $0xb8;
	[tilespmem:$0x19200] =	vst v63  }
0xd6: {  	_ = 	snop  }
0xd7: {  	[tilespmem:s12], [sflag:$0x1] =	stream.indirect_vreg.gather [hbm4b:s1+s3], $0x80, v3, vm0, $0xb8;
	[tilespmem:$0x19200] =	vst v63  }
0xd8: {  	v3 =	vld [tilespmem:$0x100];
	_ =	sdelay $0x4  }
0xd9: {  	v55 =	vshll.u32 v3, $0x1  }
0xda: {  	v3 =	vand.u32 $0x7, v3;
	v4 =	vand.u32 $0xFFFFFFF0, v55  }
0xdb: {  	v3 =	vor.u32 v3, v4  }
0xdc: {  	v4 =	vperm.xlane v3, v0;
	_ =	sdelay $0x1  }
0xdd: {  	v3 =	vperm.xlane v3, v2;
	v4 =	vadd.s32 v1, v4;
	_ =	sdelay $0x1  }
0xde: {  	v3 =	vadd.s32 v1, v3;
	_ =	sdelay $0x2  }
0xdf: {  	[tilespmem:s13], [sflag:$0x1] =	stream.indirect_vreg.gather [hbm4b:s1+s3], $0x80, v4, vm0, $0xb8;
	[tilespmem:$0x19200] =	vst v63  }
0xe0: {  	_ = 	snop  }
0xe1: {  	[tilespmem:s14], [sflag:$0x1] =	stream.indirect_vreg.gather [hbm4b:s1+s3], $0x80, v3, vm0, $0xb8;
	[tilespmem:$0x19200] =	vst v63  }
0xe2: {  	v3 =	vld [tilespmem:$0x110];
	_ =	sdelay $0x4  }
0xe3: {  	v56 =	vshll.u32 v3, $0x1  }
0xe4: {  	v3 =	vand.u32 $0x7, v3;
	v4 =	vand.u32 $0xFFFFFFF0, v56  }
0xe5: {  	v3 =	vor.u32 v3, v4  }
0xe6: {  	v4 =	vperm.xlane v3, v0;
	_ =	sdelay $0x1  }
0xe7: {  	v3 =	vperm.xlane v3, v2;
	v4 =	vadd.s32 v1, v4;
	_ =	sdelay $0x1  }
0xe8: {  	v3 =	vadd.s32 v1, v3;
	_ =	sdelay $0x2  }
0xe9: {  	[tilespmem:s15], [sflag:$0x1] =	stream.indirect_vreg.gather [hbm4b:s1+s3], $0x80, v4, vm0, $0xb8;
	[tilespmem:$0x19200] =	vst v63  }
0xea: {  	_ = 	snop  }
0xeb: {  	[tilespmem:s16], [sflag:$0x1] =	stream.indirect_vreg.gather [hbm4b:s1+s3], $0x80, v3, vm0, $0xb8;
	[tilespmem:$0x19200] =	vst v63  }
0xec: {  	v3 =	vld [tilespmem:$0x120];
	_ =	sdelay $0x4  }
0xed: {  	v57 =	vshll.u32 v3, $0x1  }
0xee: {  	v3 =	vand.u32 $0x7, v3;
	v4 =	vand.u32 $0xFFFFFFF0, v57  }
0xef: {  	v3 =	vor.u32 v3, v4  }
0xf0: {  	v4 =	vperm.xlane v3, v0;
	_ =	sdelay $0x1  }
0xf1: {  	v3 =	vperm.xlane v3, v2;
	v4 =	vadd.s32 v1, v4;
	_ =	sdelay $0x1  }
0xf2: {  	v3 =	vadd.s32 v1, v3;
	_ =	sdelay $0x2  }
0xf3: {  	[tilespmem:s17], [sflag:$0x1] =	stream.indirect_vreg.gather [hbm4b:s1+s3], $0x80, v4, vm0, $0xb8;
	[tilespmem:$0x19200] =	vst v63  }
0xf4: {  	_ = 	snop  }
0xf5: {  	[tilespmem:s18], [sflag:$0x1] =	stream.indirect_vreg.gather [hbm4b:s1+s3], $0x80, v3, vm0, $0xb8;
	[tilespmem:$0x19200] =	vst v63  }
0xf6: {  	v3 =	vld [tilespmem:$0x130];
	_ =	sdelay $0x4  }
0xf7: {  	v58 =	vshll.u32 v3, $0x1  }
0xf8: {  	v3 =	vand.u32 $0x7, v3;
	v4 =	vand.u32 $0xFFFFFFF0, v58  }
0xf9: {  	v3 =	vor.u32 v3, v4  }
0xfa: {  	v4 =	vperm.xlane v3, v0;
	_ =	sdelay $0x1  }
0xfb: {  	v3 =	vperm.xlane v3, v2;
	v4 =	vadd.s32 v1, v4;
	_ =	sdelay $0x1  }
0xfc: {  	v3 =	vadd.s32 v1, v3;
	_ =	sdelay $0x2  }
0xfd: {  	[tilespmem:s19], [sflag:$0x1] =	stream.indirect_vreg.gather [hbm4b:s1+s3], $0x80, v4, vm0, $0xb8;
	[tilespmem:$0x19200] =	vst v63  }
0xfe: {  	_ = 	snop  }
0xff: {  	[tilespmem:s20], [sflag:$0x1] =	stream.indirect_vreg.gather [hbm4b:s1+s3], $0x80, v3, vm0, $0xb8;
	[tilespmem:$0x19200] =	vst v63  }
0x100: {  	v3 =	vld [tilespmem:$0x140];
	_ =	sdelay $0x4  }
0x101: {  	v59 =	vshll.u32 v3, $0x1  }
0x102: {  	v3 =	vand.u32 $0x7, v3;
	v4 =	vand.u32 $0xFFFFFFF0, v59  }
0x103: {  	v3 =	vor.u32 v3, v4  }
0x104: {  	v4 =	vperm.xlane v3, v0;
	_ =	sdelay $0x1  }
0x105: {  	v3 =	vperm.xlane v3, v2;
	v4 =	vadd.s32 v1, v4;
	_ =	sdelay $0x1  }
0x106: {  	v3 =	vadd.s32 v1, v3;
	_ =	sdelay $0x2  }
0x107: {  	[tilespmem:s21], [sflag:$0x1] =	stream.indirect_vreg.gather [hbm4b:s1+s3], $0x80, v4, vm0, $0xb8;
	[tilespmem:$0x19200] =	vst v63  }
0x108: {  	_ = 	snop  }
0x109: {  	[tilespmem:s22], [sflag:$0x1] =	stream.indirect_vreg.gather [hbm4b:s1+s3], $0x80, v3, vm0, $0xb8;
	[tilespmem:$0x19200] =	vst v63  }
0x10a: {  	v3 =	vld [tilespmem:$0x150];
	_ =	sdelay $0x4  }
0x10b: {  	v60 =	vshll.u32 v3, $0x1  }
0x10c: {  	v3 =	vand.u32 $0x7, v3;
	v4 =	vand.u32 $0xFFFFFFF0, v60  }
0x10d: {  	v3 =	vor.u32 v3, v4  }
0x10e: {  	v4 =	vperm.xlane v3, v0;
	_ =	sdelay $0x1  }
0x10f: {  	v3 =	vperm.xlane v3, v2;
	v4 =	vadd.s32 v1, v4;
	_ =	sdelay $0x1  }
0x110: {  	v3 =	vadd.s32 v1, v3;
	_ =	sdelay $0x2  }
0x111: {  	[tilespmem:s23], [sflag:$0x1] =	stream.indirect_vreg.gather [hbm4b:s1+s3], $0x80, v4, vm0, $0xb8;
	[tilespmem:$0x19200] =	vst v63  }
0x112: {  	_ = 	snop  }
0x113: {  	[tilespmem:s24], [sflag:$0x1] =	stream.indirect_vreg.gather [hbm4b:s1+s3], $0x80, v3, vm0, $0xb8;
	[tilespmem:$0x19200] =	vst v63  }
0x114: {  	v3 =	vld [tilespmem:$0x160];
	_ =	sdelay $0x4  }
0x115: {  	v61 =	vshll.u32 v3, $0x1  }
0x116: {  	v3 =	vand.u32 $0x7, v3;
	v4 =	vand.u32 $0xFFFFFFF0, v61  }
0x117: {  	v3 =	vor.u32 v3, v4  }
0x118: {  	v4 =	vperm.xlane v3, v0;
	_ =	sdelay $0x1  }
0x119: {  	v3 =	vperm.xlane v3, v2;
	v4 =	vadd.s32 v1, v4;
	_ =	sdelay $0x1  }
0x11a: {  	v3 =	vadd.s32 v1, v3;
	_ =	sdelay $0x2  }
0x11b: {  	[tilespmem:s25], [sflag:$0x1] =	stream.indirect_vreg.gather [hbm4b:s1+s3], $0x80, v4, vm0, $0xb8;
	[tilespmem:$0x19200] =	vst v63  }
0x11c: {  	_ = 	snop  }
0x11d: {  	[tilespmem:s26], [sflag:$0x1] =	stream.indirect_vreg.gather [hbm4b:s1+s3], $0x80, v3, vm0, $0xb8;
	[tilespmem:$0x19200] =	vst v63  }
0x11e: {  	v3 =	vld [tilespmem:$0x170];
	_ =	sdelay $0x4  }
0x11f: {  	v62 =	vshll.u32 v3, $0x1  }
0x120: {  	v3 =	vand.u32 $0x7, v3;
	v4 =	vand.u32 $0xFFFFFFF0, v62  }
0x121: {  	v3 =	vor.u32 v3, v4  }
0x122: {  	v4 =	vperm.xlane v3, v0;
	_ =	sdelay $0x1  }
0x123: {  	v3 =	vperm.xlane v3, v2;
	v4 =	vadd.s32 v1, v4;
	_ =	sdelay $0x1  }
0x124: {  	v3 =	vadd.s32 v1, v3;
	_ =	sdelay $0x2  }
0x125: {  	[tilespmem:s28], [sflag:$0x1] =	stream.indirect_vreg.gather [hbm4b:s1+s3], $0x80, v4, vm0, $0xb8;
	[tilespmem:$0x19200] =	vst v63  }
0x126: {  	_ = 	snop  }
0x127: {  	[tilespmem:s29], [sflag:$0x1] =	stream.indirect_vreg.gather [hbm4b:s1+s3], $0x80, v3, vm0, $0xb8;
	[tilespmem:$0x19200] =	vst v63  }
0x128: {  	v3 =	vld [tilespmem:$0x180];
	_ =	sdelay $0x4  }
0x129: {  	v63 =	vshll.u32 v3, $0x1  }
0x12a: {  	v3 =	vand.u32 $0x7, v3;
	v4 =	vand.u32 $0xFFFFFFF0, v63  }
0x12b: {  	v3 =	vor.u32 v3, v4  }
0x12c: {  	v4 =	vperm.xlane v3, v0;
	_ =	sdelay $0x1  }
0x12d: {  	v3 =	vperm.xlane v3, v2;
	v4 =	vadd.s32 v1, v4;
	_ =	sdelay $0x1  }
0x12e: {  	v3 =	vadd.s32 v1, v3;
	_ =	sdelay $0x2  }
0x12f: {  	[tilespmem:s30], [sflag:$0x1] =	stream.indirect_vreg.gather [hbm4b:s1+s3], $0x80, v4, vm0, $0xb8;
	[tilespmem:$0x19200] =	vst v63  }
0x130: {  	_ = 	snop  }
0x131: {  	[tilespmem:s31], [sflag:$0x1] =	stream.indirect_vreg.gather [hbm4b:s1+s3], $0x80, v3, vm0, $0xb8;
	[tilespmem:$0x19200] =	vst v63  }
0x132: {  	_ =	swait.ge [sflag:s2], $0x19000  }
0x133: {  	p0 =	sne.s32 s4, $0x1;
	[sflag:s2] =	ssyncset.done $0x0  }
.Ltmp0:
0x134: {  	s7 =	rddreg [dreg:$0x5];
	[sflag:s2] =	ssyncadd.s32 $0xFFFE7000;
	(pc) =	sbr.rel @p0 .LBB2_1-.Ltmp0, $4  }
0x135: {  	[hbm4b:s7+s3] =	stream.linear.scatter [tilespmem:s6], [sflag:$0x2], $0x19000, $0x38;
	[tilespmem:$0x19200] =	vst v63  }
0x136: {  	_ =	swait.ge [sflag:s5], $0x19000  }
0x137: {  	[sflag:s5] =	ssyncset.done $0x0  }
0x138: {  	s4 =	sadd.s32 $0xFFFFFFFF, s4;
	[sflag:s5] =	ssyncadd.s32 $0xFFFE7000  }
0x139: {  	_ =	sfence.sel $0x180000  }
0x13a: {  	[bflag:$0x0] =	sbarrier.arrive $0xFFFF  }
0x13b: {  	_ =	strace $0x90000047  }
0x13c: {  	s0 =	stileid.u32;
	[bflag:$0x2] =	sbarrier.arrive $0xFFFF  }
0x13d: {  	p0 =	sne.s32 s0, $0x0;
	s0 =	rddreg [dreg:$0x3]  }
0x13e: {  	s0 =	sadd.s32 @!p0 $0x100000, s0  }
0x13f: {  	[sflag:s0] =	ssyncadd.tile.s32 @!p0 $0x1;
	_ =	shalt  }
.Lfunc_end2:
_tile_overlayer_lowered:
.L_overlay_start_2:
0x140: {  	(tag) =	ssettag $0x2  }
0x141: {  	s0 =	rddreg [dreg:$0x0];
	s2 =	stileid.u32  }
0x142: {  	s1 =	rddreg [dreg:$0x1];
	p0 =	sne.s32 s2, $0x0  }
0x143: {  	s3 =	rddreg [dreg:$0x2];
	[bflag:$0x3] =	sbarrier.arrive $0xFFFF;
	s2 =	simm.s32 @!p0 $0x1C02  }
0x144: {  	[timem:s3], [sflag:s2] =	dma.local @!p0 [hbm:s0], s1  }
0x145: {  	s0 =	simm.s32 @!p0 $0x2  }
0x146: {  	_ =	swait.ge @!p0 [sflag:s0], s1  }
0x147: {  	s1 =	ssub.s32 @!p0 $0x0, s1;
	[sflag:s0] =	ssyncset.done @!p0 $0x0  }
0x148: {  	[sflag:s0] =	ssyncadd.s32 @!p0 s1  }
0x149: {  	[bflag:$0x3] =	sbarrier.arrive $0xFFFF  }
0x14a: {  	_ =	shalt  }

</sc_bundles>
